<compile_context>
chip_gen: v7x
topology: tpu7x:2x2x1
jax: 0.10.2.dev20260603
libtpu: 0.0.44.dev20260713+nightly
codegen_flags: <defaults>
</compile_context>

<pallas_src>
import functools

import jax
import jax.numpy as jnp
from jax import lax
from jax.experimental import pallas as pl
from jax.experimental.pallas import tpu as pltpu
from jax.experimental.pallas import tpu_sc as plsc

B = 4096
S = 200
D = 32
C = 10
CP = 16
V = 1000000
DP = 128
UA = 104
UBN = 96
NC = 2
NS = 16
NW = NC * NS
CB = B // NW
UB = CB * 2
SP = 208
NBUF = 4
VBLK = 4096

_mesh = plsc.VectorSubcoreMesh(core_axis_name="c", subcore_axis_name="s")


def _proj_body(t_ref, w_ref, o_ref):
    o_ref[:, 0:CP] = lax.dot_general(
        t_ref[...], w_ref[...], (((0,), (1,)), ((), ())),
        preferred_element_type=jnp.float32)


def _project(tblT, w16):
    return pl.pallas_call(
        _proj_body,
        out_shape=jax.ShapeDtypeStruct((V, DP), jnp.float32),
        grid=(pl.cdiv(V, VBLK),),
        in_specs=[
            pl.BlockSpec((D, VBLK), lambda i: (0, i)),
            pl.BlockSpec((CP, D), lambda i: (0, 0)),
        ],
        out_specs=pl.BlockSpec((VBLK, DP), lambda i: (i, 0)),
    )(tblT, w16)


@functools.partial(
    pl.kernel,
    mesh=_mesh,
    compiler_params=pltpu.CompilerParams(use_tc_tiling_on_sc=False),
    out_type=jax.ShapeDtypeStruct((B, CP), jnp.float32),
    scratch_types=[
        pltpu.VMEM((CB, SP), jnp.float32),
        pltpu.VMEM((CB, SP), jnp.int32),
        pltpu.VMEM((CB, CP), jnp.float32),
        pltpu.VMEM((CP,), jnp.float32),
    ]
    + [pltpu.VMEM((UA, DP), jnp.float32) for _ in range(NBUF)]
    + [pltpu.SemaphoreType.DMA for _ in range(NBUF)],
)
def _pool(proj, xf, b16, out, idx_f, idx_v, pooled_v, bvec,
          b0, b1, b2, b3,
          s0, s1, s2, s3):
    bufs = (b0, b1, b2, b3)
    sems = (s0, s1, s2, s3)
    wid = lax.axis_index("s") * NC + lax.axis_index("c")
    bbase = wid * CB

    pltpu.sync_copy(b16, bvec)
    pltpu.sync_copy(xf.at[pl.ds(bbase, CB)], idx_f.at[:, pl.ds(0, S)])

    def cvt(j, _):
        for k in range(SP // 16):
            idx_v[j, pl.ds(k * 16, 16)] = (
                idx_f[j, pl.ds(k * 16, 16)].astype(jnp.int32))
        return 0

    lax.fori_loop(0, CB, cvt, 0)

    def _unit(u, b):
        j = u // 2
        if b % 2 == 0:
            return idx_v.at[j, pl.ds(0, UA)], bufs[b]
        return idx_v.at[j, pl.ds(UA, UBN)], bufs[b].at[pl.ds(0, UBN)]

    def _start(u, b):
        src, dst = _unit(u, b)
        pltpu.async_copy(proj.at[src], dst, sems[b])

    for b in range(NBUF):
        _start(b, b)

    bias = bvec[...]

    def outer(g, _):
        u0 = NBUF * g
        for jj in range(NBUF // 2):
            jrow = (NBUF // 2) * g + jj
            acc = (jnp.zeros((16,), jnp.float32),) * 4
            for b2 in range(2):
                b = 2 * jj + b2
                u = u0 + b
                src, dst = _unit(u, b)
                pltpu.make_async_copy(proj.at[src], dst, sems[b]).wait()
                buf = bufs[b]
                nrows = UA if b % 2 == 0 else UBN

                def red(i, a, buf=buf):
                    a0, a1, a2, a3 = a
                    r = i * 8
                    a0 = a0 + buf[r, pl.ds(0, 16)]
                    a1 = a1 + buf[r + 1, pl.ds(0, 16)]
                    a2 = a2 + buf[r + 2, pl.ds(0, 16)]
                    a3 = a3 + buf[r + 3, pl.ds(0, 16)]
                    a0 = a0 + buf[r + 4, pl.ds(0, 16)]
                    a1 = a1 + buf[r + 5, pl.ds(0, 16)]
                    a2 = a2 + buf[r + 6, pl.ds(0, 16)]
                    a3 = a3 + buf[r + 7, pl.ds(0, 16)]
                    return (a0, a1, a2, a3)

                acc = lax.fori_loop(0, nrows // 8, red, acc)

                @pl.when(u + NBUF < UB)
                def _(b=b, u=u):
                    _start(u + NBUF, b)

            pooled_v[jrow, pl.ds(0, 16)] = (
                (acc[0] + acc[1]) + (acc[2] + acc[3]) + bias)
        return 0

    lax.fori_loop(0, UB // NBUF, outer, 0)
    pltpu.sync_copy(pooled_v, out.at[pl.ds(bbase, CB)])


def kernel(x, emb_table, fc_w, fc_b):
    w16 = jnp.zeros((CP, D), jnp.float32).at[:C].set(
        fc_w.astype(jnp.float32) * jnp.float32(1.0 / S))
    b16 = jnp.zeros((CP,), jnp.float32).at[:C].set(fc_b.astype(jnp.float32))
    proj = _project(emb_table.T, w16)
    out16 = _pool(proj, x.astype(jnp.float32), b16)
    return out16[:, :C]

# --- scband reference (transcript-rebuilt; emitter-appended) ---
"""Pipeline reference for scband-fast-text-model-28690381537782 (READ-ONLY COPY).

The authoritative reference and input builder live on the scoring server;
editing this copy changes nothing except your own understanding.
"""

import jax, jax.numpy as jnp
import numpy as np

VOCAB = 1000000
EMBED_DIM = 32
NUM_CLASSES = 10
BATCH = 4096
SEQ_LEN = 200

def setup_inputs(seed: int = 0) -> dict:
    key = jax.random.key(seed)
    k1, k2, k3, k4 = jax.random.split(key, 4)
    x = jax.random.randint(k1, (BATCH, SEQ_LEN), 0, VOCAB, dtype=jnp.int64 if jax.config.jax_enable_x64 else jnp.int32)
    emb_table = jax.random.normal(k2, (VOCAB, EMBED_DIM), dtype=jnp.float32) * 0.02
    fc_w = jax.random.normal(k3, (NUM_CLASSES, EMBED_DIM), dtype=jnp.float32) * (1.0 / np.sqrt(EMBED_DIM))
    fc_b = jax.random.normal(k4, (NUM_CLASSES,), dtype=jnp.float32) * 0.01
    return {"x": x, "emb_table": emb_table, "fc_w": fc_w, "fc_b": fc_b}

def reference(x, emb_table, fc_w, fc_b):
    # embedding lookup: [B, S] -> [B, S, D]
    embedded = jnp.take(emb_table, x, axis=0)
    # mean pooling over sequence dim: [B, D]
    pooled = jnp.mean(embedded, axis=1)
    # dropout is identity in eval mode
    # linear: [B, num_classes]
    output = pooled @ fc_w.T + fc_b
    return output

if __name__ == "__main__":
    import jax
    _d = setup_inputs()
    print(jax.jit(kernel)(*tuple(_d.values())))

</pallas_src>

<mosaic_0001>
#map = affine_map<(d0, d1) -> (0, 0)>
#map1 = affine_map<(d0, d1) -> (0)>
module attributes {stable_mosaic.version = 14 : i64} {
  func.func @_pool(%arg0: i32, %arg1: i32, %arg2: memref<1000000x128xf32, #tpu.memory_space<hbm>>, %arg3: memref<4096x200xf32, #tpu.memory_space<hbm>>, %arg4: memref<16xf32, #tpu.memory_space<hbm>>, %arg5: memref<4096x16xf32, #tpu.memory_space<hbm>>, %arg6: memref<128x208xf32, #tpu.memory_space<vmem>>, %arg7: memref<128x208xi32, #tpu.memory_space<vmem>>, %arg8: memref<128x16xf32, #tpu.memory_space<vmem>>, %arg9: memref<16xf32, #tpu.memory_space<vmem>>, %arg10: memref<104x128xf32, #tpu.memory_space<vmem>>, %arg11: memref<104x128xf32, #tpu.memory_space<vmem>>, %arg12: memref<104x128xf32, #tpu.memory_space<vmem>>, %arg13: memref<104x128xf32, #tpu.memory_space<vmem>>, %arg14: memref<!tpu.dma_semaphore, #tpu.memory_space<semaphore_mem>>, %arg15: memref<!tpu.dma_semaphore, #tpu.memory_space<semaphore_mem>>, %arg16: memref<!tpu.dma_semaphore, #tpu.memory_space<semaphore_mem>>, %arg17: memref<!tpu.dma_semaphore, #tpu.memory_space<semaphore_mem>>) attributes {dimension_semantics = [#tpu.dimension_semantics<core_parallel>, #tpu.dimension_semantics<subcore_parallel>], iteration_bounds = array<i64: 2, 16>, scalar_prefetch = 0 : i64, scratch_operands = 12 : i64, tpu.core_type = #tpu.core_type<sc_vector_subcore>, window_params = [{transform_indices = #map}, {transform_indices = #map}, {transform_indices = #map1}, {transform_indices = #map}]} {
    %mul3A = arith.constant 2 : i32
    %mul3A_0 = arith.muli %arg1, %mul3A : i32
    %add3A = arith.addi %mul3A_0, %arg0 : i32
    %mul3A_1 = arith.constant 128 : i32
    %mul3A_2 = arith.muli %add3A, %mul3A_1 : i32
    "tpu.region"() ({
      %run_scoped3A = tpu.sem_alloc : memref<!tpu.dma_semaphore, #tpu.memory_space<semaphore_mem>>
      tpu.enqueue_dma source(%arg4 : memref<16xf32, #tpu.memory_space<hbm>>) target(%arg9 : memref<16xf32, #tpu.memory_space<vmem>>) target_semaphore(%run_scoped3A : memref<!tpu.dma_semaphore, #tpu.memory_space<semaphore_mem>>)
      tpu.wait_dma2 semaphore(%run_scoped3A : memref<!tpu.dma_semaphore, #tpu.memory_space<semaphore_mem>>) src(%arg4 : memref<16xf32, #tpu.memory_space<hbm>>) dst(%arg9 : memref<16xf32, #tpu.memory_space<vmem>>)
      tpu.yield
    }) : () -> ()
    "tpu.region"() ({
      %run_scoped3A = tpu.sem_alloc : memref<!tpu.dma_semaphore, #tpu.memory_space<semaphore_mem>>
      %dma_start3A_51 = arith.constant 0 : i32
      %dma_start3A_52 = arith.constant 0 : i32
      %dma_start3A_53 = tpu.memref_slice %arg6[%dma_start3A_51, %dma_start3A_52] : memref<128x208xf32, #tpu.memory_space<vmem>> -> memref<128x200xf32, #tpu.memory_space<vmem>>
      %dma_start3A_54 = arith.constant 0 : i32
      %dma_start3A_55 = tpu.memref_slice %arg3[%mul3A_2, %dma_start3A_54] : memref<4096x200xf32, #tpu.memory_space<hbm>> -> memref<128x200xf32, #tpu.memory_space<hbm>>
      %dma_start3A_56 = arith.constant 0 : i32
      %dma_start3A_57 = arith.constant 0 : i32
      %dma_start3A_58 = tpu.memref_slice %arg6[%dma_start3A_56, %dma_start3A_57] : memref<128x208xf32, #tpu.memory_space<vmem>> -> memref<128x200xf32, #tpu.memory_space<vmem>>
      %dma_start3A_59 = arith.constant 0 : i32
      %dma_start3A_60 = tpu.memref_slice %arg3[%mul3A_2, %dma_start3A_59] : memref<4096x200xf32, #tpu.memory_space<hbm>> -> memref<128x200xf32, #tpu.memory_space<hbm>>
      tpu.enqueue_dma source(%dma_start3A_60 : memref<128x200xf32, #tpu.memory_space<hbm>>) target(%dma_start3A_58 : memref<128x200xf32, #tpu.memory_space<vmem>>) target_semaphore(%run_scoped3A : memref<!tpu.dma_semaphore, #tpu.memory_space<semaphore_mem>>)
      %dma_wait3A = arith.constant 0 : i32
      %dma_wait3A_61 = arith.constant 0 : i32
      %dma_wait3A_62 = tpu.memref_slice %arg6[%dma_wait3A, %dma_wait3A_61] : memref<128x208xf32, #tpu.memory_space<vmem>> -> memref<128x200xf32, #tpu.memory_space<vmem>>
      %dma_wait3A_63 = arith.constant 0 : i32
      %dma_wait3A_64 = tpu.memref_slice %arg3[%mul3A_2, %dma_wait3A_63] : memref<4096x200xf32, #tpu.memory_space<hbm>> -> memref<128x200xf32, #tpu.memory_space<hbm>>
      %dma_wait3A_65 = arith.constant 0 : i32
      %dma_wait3A_66 = arith.constant 0 : i32
      %dma_wait3A_67 = tpu.memref_slice %arg6[%dma_wait3A_65, %dma_wait3A_66] : memref<128x208xf32, #tpu.memory_space<vmem>> -> memref<128x200xf32, #tpu.memory_space<vmem>>
      %dma_wait3A_68 = arith.constant 0 : i32
      %dma_wait3A_69 = tpu.memref_slice %arg3[%mul3A_2, %dma_wait3A_68] : memref<4096x200xf32, #tpu.memory_space<hbm>> -> memref<128x200xf32, #tpu.memory_space<hbm>>
      tpu.wait_dma2 semaphore(%run_scoped3A : memref<!tpu.dma_semaphore, #tpu.memory_space<semaphore_mem>>) src(%dma_wait3A_69 : memref<128x200xf32, #tpu.memory_space<hbm>>) dst(%dma_wait3A_67 : memref<128x200xf32, #tpu.memory_space<vmem>>)
      tpu.yield
    }) : () -> ()
    %scan3A = arith.constant 0 : i32
    %scan3A_3 = arith.constant 0 : i32
    %scan3A_4 = arith.constant 128 : i32
    %scan3A_5 = arith.addi %scan3A_3, %scan3A_4 : i32
    %scan3A_6 = arith.constant 1 : i32
    %scan3A_7 = scf.for %scan3A_51 = %scan3A_3 to %scan3A_5 step %scan3A_6 iter_args(%scan3A_52 = %scan3A) -> (i32)  : i32 {
      %get3A_53 = arith.index_cast %scan3A_51 : i32 to index
      %get3A_54 = arith.constant 0 : index
      %get3A_55 = tpu.vector_load %arg6[%get3A_53, %get3A_54] {strides = array<i32>} : memref<128x208xf32, #tpu.memory_space<vmem>>, vector<1x16xf32>,
      %get3A_56 = vector.shape_cast %get3A_55 : vector<1x16xf32> to vector<16xf32>
      %convert_element_type3A = arith.fptosi %get3A_56 : vector<16xf32> to vector<16xi32>
      %swap3A = arith.index_cast %scan3A_51 : i32 to index
      %swap3A_57 = arith.constant 0 : index
      %swap3A_58 = tpu.vector_load %arg7[%swap3A, %swap3A_57] {strides = array<i32>} : memref<128x208xi32, #tpu.memory_space<vmem>>, vector<1x16xi32>,
      %swap3A_59 = vector.shape_cast %swap3A_58 : vector<1x16xi32> to vector<16xi32>
      %swap3A_60 = vector.shape_cast %convert_element_type3A : vector<16xi32> to vector<1x16xi32>
      tpu.vector_store %arg7[%swap3A, %swap3A_57], %swap3A_60 {strides = array<i32>} : memref<128x208xi32, #tpu.memory_space<vmem>>, vector<1x16xi32>,
      %get3A_61 = arith.index_cast %scan3A_51 : i32 to index
      %get3A_62 = arith.constant 16 : index
      %get3A_63 = tpu.vector_load %arg6[%get3A_61, %get3A_62] {strides = array<i32>} : memref<128x208xf32, #tpu.memory_space<vmem>>, vector<1x16xf32>,
      %get3A_64 = vector.shape_cast %get3A_63 : vector<1x16xf32> to vector<16xf32>
      %convert_element_type3A_65 = arith.fptosi %get3A_64 : vector<16xf32> to vector<16xi32>
      %swap3A_66 = arith.index_cast %scan3A_51 : i32 to index
      %swap3A_67 = arith.constant 16 : index
      %swap3A_68 = tpu.vector_load %arg7[%swap3A_66, %swap3A_67] {strides = array<i32>} : memref<128x208xi32, #tpu.memory_space<vmem>>, vector<1x16xi32>,
      %swap3A_69 = vector.shape_cast %swap3A_68 : vector<1x16xi32> to vector<16xi32>
      %swap3A_70 = vector.shape_cast %convert_element_type3A_65 : vector<16xi32> to vector<1x16xi32>
      tpu.vector_store %arg7[%swap3A_66, %swap3A_67], %swap3A_70 {strides = array<i32>} : memref<128x208xi32, #tpu.memory_space<vmem>>, vector<1x16xi32>,
      %get3A_71 = arith.index_cast %scan3A_51 : i32 to index
      %get3A_72 = arith.constant 32 : index
      %get3A_73 = tpu.vector_load %arg6[%get3A_71, %get3A_72] {strides = array<i32>} : memref<128x208xf32, #tpu.memory_space<vmem>>, vector<1x16xf32>,
      %get3A_74 = vector.shape_cast %get3A_73 : vector<1x16xf32> to vector<16xf32>
      %convert_element_type3A_75 = arith.fptosi %get3A_74 : vector<16xf32> to vector<16xi32>
      %swap3A_76 = arith.index_cast %scan3A_51 : i32 to index
      %swap3A_77 = arith.constant 32 : index
      %swap3A_78 = tpu.vector_load %arg7[%swap3A_76, %swap3A_77] {strides = array<i32>} : memref<128x208xi32, #tpu.memory_space<vmem>>, vector<1x16xi32>,
      %swap3A_79 = vector.shape_cast %swap3A_78 : vector<1x16xi32> to vector<16xi32>
      %swap3A_80 = vector.shape_cast %convert_element_type3A_75 : vector<16xi32> to vector<1x16xi32>
      tpu.vector_store %arg7[%swap3A_76, %swap3A_77], %swap3A_80 {strides = array<i32>} : memref<128x208xi32, #tpu.memory_space<vmem>>, vector<1x16xi32>,
      %get3A_81 = arith.index_cast %scan3A_51 : i32 to index
      %get3A_82 = arith.constant 48 : index
      %get3A_83 = tpu.vector_load %arg6[%get3A_81, %get3A_82] {strides = array<i32>} : memref<128x208xf32, #tpu.memory_space<vmem>>, vector<1x16xf32>,
      %get3A_84 = vector.shape_cast %get3A_83 : vector<1x16xf32> to vector<16xf32>
      %convert_element_type3A_85 = arith.fptosi %get3A_84 : vector<16xf32> to vector<16xi32>
      %swap3A_86 = arith.index_cast %scan3A_51 : i32 to index
      %swap3A_87 = arith.constant 48 : index
      %swap3A_88 = tpu.vector_load %arg7[%swap3A_86, %swap3A_87] {strides = array<i32>} : memref<128x208xi32, #tpu.memory_space<vmem>>, vector<1x16xi32>,
      %swap3A_89 = vector.shape_cast %swap3A_88 : vector<1x16xi32> to vector<16xi32>
      %swap3A_90 = vector.shape_cast %convert_element_type3A_85 : vector<16xi32> to vector<1x16xi32>
      tpu.vector_store %arg7[%swap3A_86, %swap3A_87], %swap3A_90 {strides = array<i32>} : memref<128x208xi32, #tpu.memory_space<vmem>>, vector<1x16xi32>,
      %get3A_91 = arith.index_cast %scan3A_51 : i32 to index
      %get3A_92 = arith.constant 64 : index
      %get3A_93 = tpu.vector_load %arg6[%get3A_91, %get3A_92] {strides = array<i32>} : memref<128x208xf32, #tpu.memory_space<vmem>>, vector<1x16xf32>,
      %get3A_94 = vector.shape_cast %get3A_93 : vector<1x16xf32> to vector<16xf32>
      %convert_element_type3A_95 = arith.fptosi %get3A_94 : vector<16xf32> to vector<16xi32>
      %swap3A_96 = arith.index_cast %scan3A_51 : i32 to index
      %swap3A_97 = arith.constant 64 : index
      %swap3A_98 = tpu.vector_load %arg7[%swap3A_96, %swap3A_97] {strides = array<i32>} : memref<128x208xi32, #tpu.memory_space<vmem>>, vector<1x16xi32>,
      %swap3A_99 = vector.shape_cast %swap3A_98 : vector<1x16xi32> to vector<16xi32>
      %swap3A_100 = vector.shape_cast %convert_element_type3A_95 : vector<16xi32> to vector<1x16xi32>
      tpu.vector_store %arg7[%swap3A_96, %swap3A_97], %swap3A_100 {strides = array<i32>} : memref<128x208xi32, #tpu.memory_space<vmem>>, vector<1x16xi32>,
      %get3A_101 = arith.index_cast %scan3A_51 : i32 to index
      %get3A_102 = arith.constant 80 : index
      %get3A_103 = tpu.vector_load %arg6[%get3A_101, %get3A_102] {strides = array<i32>} : memref<128x208xf32, #tpu.memory_space<vmem>>, vector<1x16xf32>,
      %get3A_104 = vector.shape_cast %get3A_103 : vector<1x16xf32> to vector<16xf32>
      %convert_element_type3A_105 = arith.fptosi %get3A_104 : vector<16xf32> to vector<16xi32>
      %swap3A_106 = arith.index_cast %scan3A_51 : i32 to index
      %swap3A_107 = arith.constant 80 : index
      %swap3A_108 = tpu.vector_load %arg7[%swap3A_106, %swap3A_107] {strides = array<i32>} : memref<128x208xi32, #tpu.memory_space<vmem>>, vector<1x16xi32>,
      %swap3A_109 = vector.shape_cast %swap3A_108 : vector<1x16xi32> to vector<16xi32>
      %swap3A_110 = vector.shape_cast %convert_element_type3A_105 : vector<16xi32> to vector<1x16xi32>
      tpu.vector_store %arg7[%swap3A_106, %swap3A_107], %swap3A_110 {strides = array<i32>} : memref<128x208xi32, #tpu.memory_space<vmem>>, vector<1x16xi32>,
      %get3A_111 = arith.index_cast %scan3A_51 : i32 to index
      %get3A_112 = arith.constant 96 : index
      %get3A_113 = tpu.vector_load %arg6[%get3A_111, %get3A_112] {strides = array<i32>} : memref<128x208xf32, #tpu.memory_space<vmem>>, vector<1x16xf32>,
      %get3A_114 = vector.shape_cast %get3A_113 : vector<1x16xf32> to vector<16xf32>
      %convert_element_type3A_115 = arith.fptosi %get3A_114 : vector<16xf32> to vector<16xi32>
      %swap3A_116 = arith.index_cast %scan3A_51 : i32 to index
      %swap3A_117 = arith.constant 96 : index
      %swap3A_118 = tpu.vector_load %arg7[%swap3A_116, %swap3A_117] {strides = array<i32>} : memref<128x208xi32, #tpu.memory_space<vmem>>, vector<1x16xi32>,
      %swap3A_119 = vector.shape_cast %swap3A_118 : vector<1x16xi32> to vector<16xi32>
      %swap3A_120 = vector.shape_cast %convert_element_type3A_115 : vector<16xi32> to vector<1x16xi32>
      tpu.vector_store %arg7[%swap3A_116, %swap3A_117], %swap3A_120 {strides = array<i32>} : memref<128x208xi32, #tpu.memory_space<vmem>>, vector<1x16xi32>,
      %get3A_121 = arith.index_cast %scan3A_51 : i32 to index
      %get3A_122 = arith.constant 112 : index
      %get3A_123 = tpu.vector_load %arg6[%get3A_121, %get3A_122] {strides = array<i32>} : memref<128x208xf32, #tpu.memory_space<vmem>>, vector<1x16xf32>,
      %get3A_124 = vector.shape_cast %get3A_123 : vector<1x16xf32> to vector<16xf32>
      %convert_element_type3A_125 = arith.fptosi %get3A_124 : vector<16xf32> to vector<16xi32>
      %swap3A_126 = arith.index_cast %scan3A_51 : i32 to index
      %swap3A_127 = arith.constant 112 : index
      %swap3A_128 = tpu.vector_load %arg7[%swap3A_126, %swap3A_127] {strides = array<i32>} : memref<128x208xi32, #tpu.memory_space<vmem>>, vector<1x16xi32>,
      %swap3A_129 = vector.shape_cast %swap3A_128 : vector<1x16xi32> to vector<16xi32>
      %swap3A_130 = vector.shape_cast %convert_element_type3A_125 : vector<16xi32> to vector<1x16xi32>
      tpu.vector_store %arg7[%swap3A_126, %swap3A_127], %swap3A_130 {strides = array<i32>} : memref<128x208xi32, #tpu.memory_space<vmem>>, vector<1x16xi32>,
      %get3A_131 = arith.index_cast %scan3A_51 : i32 to index
      %get3A_132 = arith.constant 128 : index
      %get3A_133 = tpu.vector_load %arg6[%get3A_131, %get3A_132] {strides = array<i32>} : memref<128x208xf32, #tpu.memory_space<vmem>>, vector<1x16xf32>,
      %get3A_134 = vector.shape_cast %get3A_133 : vector<1x16xf32> to vector<16xf32>
      %convert_element_type3A_135 = arith.fptosi %get3A_134 : vector<16xf32> to vector<16xi32>
      %swap3A_136 = arith.index_cast %scan3A_51 : i32 to index
      %swap3A_137 = arith.constant 128 : index
      %swap3A_138 = tpu.vector_load %arg7[%swap3A_136, %swap3A_137] {strides = array<i32>} : memref<128x208xi32, #tpu.memory_space<vmem>>, vector<1x16xi32>,
      %swap3A_139 = vector.shape_cast %swap3A_138 : vector<1x16xi32> to vector<16xi32>
      %swap3A_140 = vector.shape_cast %convert_element_type3A_135 : vector<16xi32> to vector<1x16xi32>
      tpu.vector_store %arg7[%swap3A_136, %swap3A_137], %swap3A_140 {strides = array<i32>} : memref<128x208xi32, #tpu.memory_space<vmem>>, vector<1x16xi32>,
      %get3A_141 = arith.index_cast %scan3A_51 : i32 to index
      %get3A_142 = arith.constant 144 : index
      %get3A_143 = tpu.vector_load %arg6[%get3A_141, %get3A_142] {strides = array<i32>} : memref<128x208xf32, #tpu.memory_space<vmem>>, vector<1x16xf32>,
      %get3A_144 = vector.shape_cast %get3A_143 : vector<1x16xf32> to vector<16xf32>
      %convert_element_type3A_145 = arith.fptosi %get3A_144 : vector<16xf32> to vector<16xi32>
      %swap3A_146 = arith.index_cast %scan3A_51 : i32 to index
      %swap3A_147 = arith.constant 144 : index
      %swap3A_148 = tpu.vector_load %arg7[%swap3A_146, %swap3A_147] {strides = array<i32>} : memref<128x208xi32, #tpu.memory_space<vmem>>, vector<1x16xi32>,
      %swap3A_149 = vector.shape_cast %swap3A_148 : vector<1x16xi32> to vector<16xi32>
      %swap3A_150 = vector.shape_cast %convert_element_type3A_145 : vector<16xi32> to vector<1x16xi32>
      tpu.vector_store %arg7[%swap3A_146, %swap3A_147], %swap3A_150 {strides = array<i32>} : memref<128x208xi32, #tpu.memory_space<vmem>>, vector<1x16xi32>,
      %get3A_151 = arith.index_cast %scan3A_51 : i32 to index
      %get3A_152 = arith.constant 160 : index
      %get3A_153 = tpu.vector_load %arg6[%get3A_151, %get3A_152] {strides = array<i32>} : memref<128x208xf32, #tpu.memory_space<vmem>>, vector<1x16xf32>,
      %get3A_154 = vector.shape_cast %get3A_153 : vector<1x16xf32> to vector<16xf32>
      %convert_element_type3A_155 = arith.fptosi %get3A_154 : vector<16xf32> to vector<16xi32>
      %swap3A_156 = arith.index_cast %scan3A_51 : i32 to index
      %swap3A_157 = arith.constant 160 : index
      %swap3A_158 = tpu.vector_load %arg7[%swap3A_156, %swap3A_157] {strides = array<i32>} : memref<128x208xi32, #tpu.memory_space<vmem>>, vector<1x16xi32>,
      %swap3A_159 = vector.shape_cast %swap3A_158 : vector<1x16xi32> to vector<16xi32>
      %swap3A_160 = vector.shape_cast %convert_element_type3A_155 : vector<16xi32> to vector<1x16xi32>
      tpu.vector_store %arg7[%swap3A_156, %swap3A_157], %swap3A_160 {strides = array<i32>} : memref<128x208xi32, #tpu.memory_space<vmem>>, vector<1x16xi32>,
      %get3A_161 = arith.index_cast %scan3A_51 : i32 to index
      %get3A_162 = arith.constant 176 : index
      %get3A_163 = tpu.vector_load %arg6[%get3A_161, %get3A_162] {strides = array<i32>} : memref<128x208xf32, #tpu.memory_space<vmem>>, vector<1x16xf32>,
      %get3A_164 = vector.shape_cast %get3A_163 : vector<1x16xf32> to vector<16xf32>
      %convert_element_type3A_165 = arith.fptosi %get3A_164 : vector<16xf32> to vector<16xi32>
      %swap3A_166 = arith.index_cast %scan3A_51 : i32 to index
      %swap3A_167 = arith.constant 176 : index
      %swap3A_168 = tpu.vector_load %arg7[%swap3A_166, %swap3A_167] {strides = array<i32>} : memref<128x208xi32, #tpu.memory_space<vmem>>, vector<1x16xi32>,
      %swap3A_169 = vector.shape_cast %swap3A_168 : vector<1x16xi32> to vector<16xi32>
      %swap3A_170 = vector.shape_cast %convert_element_type3A_165 : vector<16xi32> to vector<1x16xi32>
      tpu.vector_store %arg7[%swap3A_166, %swap3A_167], %swap3A_170 {strides = array<i32>} : memref<128x208xi32, #tpu.memory_space<vmem>>, vector<1x16xi32>,
      %get3A_171 = arith.index_cast %scan3A_51 : i32 to index
      %get3A_172 = arith.constant 192 : index
      %get3A_173 = tpu.vector_load %arg6[%get3A_171, %get3A_172] {strides = array<i32>} : memref<128x208xf32, #tpu.memory_space<vmem>>, vector<1x16xf32>,
      %get3A_174 = vector.shape_cast %get3A_173 : vector<1x16xf32> to vector<16xf32>
      %convert_element_type3A_175 = arith.fptosi %get3A_174 : vector<16xf32> to vector<16xi32>
      %swap3A_176 = arith.index_cast %scan3A_51 : i32 to index
      %swap3A_177 = arith.constant 192 : index
      %swap3A_178 = tpu.vector_load %arg7[%swap3A_176, %swap3A_177] {strides = array<i32>} : memref<128x208xi32, #tpu.memory_space<vmem>>, vector<1x16xi32>,
      %swap3A_179 = vector.shape_cast %swap3A_178 : vector<1x16xi32> to vector<16xi32>
      %swap3A_180 = vector.shape_cast %convert_element_type3A_175 : vector<16xi32> to vector<1x16xi32>
      tpu.vector_store %arg7[%swap3A_176, %swap3A_177], %swap3A_180 {strides = array<i32>} : memref<128x208xi32, #tpu.memory_space<vmem>>, vector<1x16xi32>,
      %scan3A_181 = arith.constant 0 : i32
      scf.yield %scan3A_181 : i32
    }
    %scan3A_8 = arith.constant 128 : i32
    %dma_start3A = arith.constant 0 : i32
    %dma_start3A_9 = arith.constant 0 : i32
    %dma_start3A_10 = tpu.memref_slice %arg7[%dma_start3A, %dma_start3A_9] : memref<128x208xi32, #tpu.memory_space<vmem>> -> memref<1x104xi32, #tpu.memory_space<vmem>>
    %dma_start3A_11 = tpu.memref_squeeze %dma_start3A_10 : memref<1x104xi32, #tpu.memory_space<vmem>> -> memref<104xi32, #tpu.memory_space<vmem>>
    %dma_start3A_12 = arith.constant 0 : i32
    %dma_start3A_13 = arith.constant 0 : i32
    %dma_start3A_14 = tpu.memref_slice %arg2[%dma_start3A_12, %dma_start3A_13] : memref<1000000x128xf32, #tpu.memory_space<hbm>> -> memref<1000000x128xf32, #tpu.memory_space<hbm>>
    tpu.enqueue_indirect_dma source(%dma_start3A_14 : memref<1000000x128xf32, #tpu.memory_space<hbm>>) target(%arg10 : memref<104x128xf32, #tpu.memory_space<vmem>>) offsets(%dma_start3A_11 : memref<104xi32, #tpu.memory_space<vmem>>) semaphore(%arg14 : memref<!tpu.dma_semaphore, #tpu.memory_space<semaphore_mem>>)
    %dma_start3A_15 = arith.constant 0 : i32
    %dma_start3A_16 = arith.constant 0 : i32
    %dma_start3A_17 = arith.constant 0 : i32
    %dma_start3A_18 = tpu.memref_slice %arg11[%dma_start3A_16, %dma_start3A_17] : memref<104x128xf32, #tpu.memory_space<vmem>> -> memref<96x128xf32, #tpu.memory_space<vmem>>
    %dma_start3A_19 = arith.constant 104 : i32
    %dma_start3A_20 = tpu.memref_slice %arg7[%dma_start3A_15, %dma_start3A_19] : memref<128x208xi32, #tpu.memory_space<vmem>> -> memref<1x96xi32, #tpu.memory_space<vmem>>
    %dma_start3A_21 = tpu.memref_squeeze %dma_start3A_20 : memref<1x96xi32, #tpu.memory_space<vmem>> -> memref<96xi32, #tpu.memory_space<vmem>>
    %dma_start3A_22 = arith.constant 0 : i32
    %dma_start3A_23 = arith.constant 0 : i32
    %dma_start3A_24 = tpu.memref_slice %arg2[%dma_start3A_22, %dma_start3A_23] : memref<1000000x128xf32, #tpu.memory_space<hbm>> -> memref<1000000x128xf32, #tpu.memory_space<hbm>>
    tpu.enqueue_indirect_dma source(%dma_start3A_24 : memref<1000000x128xf32, #tpu.memory_space<hbm>>) target(%dma_start3A_18 : memref<96x128xf32, #tpu.memory_space<vmem>>) offsets(%dma_start3A_21 : memref<96xi32, #tpu.memory_space<vmem>>) semaphore(%arg15 : memref<!tpu.dma_semaphore, #tpu.memory_space<semaphore_mem>>)
    %dma_start3A_25 = arith.constant 1 : i32
    %dma_start3A_26 = arith.constant 0 : i32
    %dma_start3A_27 = tpu.memref_slice %arg7[%dma_start3A_25, %dma_start3A_26] : memref<128x208xi32, #tpu.memory_space<vmem>> -> memref<1x104xi32, #tpu.memory_space<vmem>>
    %dma_start3A_28 = tpu.memref_squeeze %dma_start3A_27 : memref<1x104xi32, #tpu.memory_space<vmem>> -> memref<104xi32, #tpu.memory_space<vmem>>
    %dma_start3A_29 = arith.constant 0 : i32
    %dma_start3A_30 = arith.constant 0 : i32
    %dma_start3A_31 = tpu.memref_slice %arg2[%dma_start3A_29, %dma_start3A_30] : memref<1000000x128xf32, #tpu.memory_space<hbm>> -> memref<1000000x128xf32, #tpu.memory_space<hbm>>
    tpu.enqueue_indirect_dma source(%dma_start3A_31 : memref<1000000x128xf32, #tpu.memory_space<hbm>>) target(%arg12 : memref<104x128xf32, #tpu.memory_space<vmem>>) offsets(%dma_start3A_28 : memref<104xi32, #tpu.memory_space<vmem>>) semaphore(%arg16 : memref<!tpu.dma_semaphore, #tpu.memory_space<semaphore_mem>>)
    %dma_start3A_32 = arith.constant 1 : i32
    %dma_start3A_33 = arith.constant 0 : i32
    %dma_start3A_34 = arith.constant 0 : i32
    %dma_start3A_35 = tpu.memref_slice %arg13[%dma_start3A_33, %dma_start3A_34] : memref<104x128xf32, #tpu.memory_space<vmem>> -> memref<96x128xf32, #tpu.memory_space<vmem>>
    %dma_start3A_36 = arith.constant 104 : i32
    %dma_start3A_37 = tpu.memref_slice %arg7[%dma_start3A_32, %dma_start3A_36] : memref<128x208xi32, #tpu.memory_space<vmem>> -> memref<1x96xi32, #tpu.memory_space<vmem>>
    %dma_start3A_38 = tpu.memref_squeeze %dma_start3A_37 : memref<1x96xi32, #tpu.memory_space<vmem>> -> memref<96xi32, #tpu.memory_space<vmem>>
    %dma_start3A_39 = arith.constant 0 : i32
    %dma_start3A_40 = arith.constant 0 : i32
    %dma_start3A_41 = tpu.memref_slice %arg2[%dma_start3A_39, %dma_start3A_40] : memref<1000000x128xf32, #tpu.memory_space<hbm>> -> memref<1000000x128xf32, #tpu.memory_space<hbm>>
    tpu.enqueue_indirect_dma source(%dma_start3A_41 : memref<1000000x128xf32, #tpu.memory_space<hbm>>) target(%dma_start3A_35 : memref<96x128xf32, #tpu.memory_space<vmem>>) offsets(%dma_start3A_38 : memref<96xi32, #tpu.memory_space<vmem>>) semaphore(%arg17 : memref<!tpu.dma_semaphore, #tpu.memory_space<semaphore_mem>>)
    %get3A = arith.constant 0 : index
    %get3A_42 = tpu.vector_load %arg9[%get3A] {strides = array<i32>} : memref<16xf32, #tpu.memory_space<vmem>>, vector<16xf32>,
    %get3A_43 = vector.shape_cast %get3A_42 : vector<16xf32> to vector<16xf32>
    %scan3A_44 = arith.constant 0 : i32
    %scan3A_45 = arith.constant 0 : i32
    %scan3A_46 = arith.constant 64 : i32
    %scan3A_47 = arith.addi %scan3A_45, %scan3A_46 : i32
    %scan3A_48 = arith.constant 1 : i32
    %scan3A_49 = scf.for %scan3A_51 = %scan3A_45 to %scan3A_47 step %scan3A_48 iter_args(%scan3A_52 = %scan3A_44) -> (i32)  : i32 {
      %mul3A_53 = arith.constant 4 : i32
      %mul3A_54 = arith.muli %mul3A_53, %scan3A_51 : i32
      %mul3A_55 = arith.constant 2 : i32
      %mul3A_56 = arith.muli %mul3A_55, %scan3A_51 : i32
      %add3A_57 = arith.constant 0 : i32
      %add3A_58 = arith.addi %mul3A_56, %add3A_57 : i32
      %broadcast_in_dim3A = arith.constant 0.000000e+00 : f32
      %broadcast_in_dim3A_59 = vector.broadcast %broadcast_in_dim3A : f32 to vector<16xf32>
      %add3A_60 = arith.constant 0 : i32
      %add3A_61 = arith.addi %mul3A_54, %add3A_60 : i32
      %jit3A = arith.constant 2 : i32
      %div3A = arith.divsi %add3A_61, %jit3A : i32
      %sign3A = arith.constant 0 : i32
      %sign3A_62 = arith.cmpi sgt, %add3A_61, %sign3A : i32
      %sign3A_63 = arith.extui %sign3A_62 : i1 to i32
      %sign3A_64 = arith.constant 0 : i32
      %sign3A_65 = arith.cmpi slt, %add3A_61, %sign3A_64 : i32
      %sign3A_66 = arith.extui %sign3A_65 : i1 to i32
      %sign3A_67 = arith.subi %sign3A_63, %sign3A_66 : i32
      %sign3A_68 = arith.constant 0 : i32
      %sign3A_69 = arith.cmpi sgt, %jit3A, %sign3A_68 : i32
      %sign3A_70 = arith.extui %sign3A_69 : i1 to i32
      %sign3A_71 = arith.constant 0 : i32
      %sign3A_72 = arith.cmpi slt, %jit3A, %sign3A_71 : i32
      %sign3A_73 = arith.extui %sign3A_72 : i1 to i32
      %sign3A_74 = arith.subi %sign3A_70, %sign3A_73 : i32
      %ne3A = arith.cmpi ne, %sign3A_67, %sign3A_74 : i32
      %rem3A = arith.remsi %add3A_61, %jit3A : i32
      %ne3A_75 = arith.constant 0 : i32
      %ne3A_76 = arith.cmpi ne, %rem3A, %ne3A_75 : i32
      %and3A = arith.andi %ne3A, %ne3A_76 : i1
      %sub3A = arith.constant 1 : i32
      %sub3A_77 = arith.subi %div3A, %sub3A : i32
      %select_n3A = arith.select %and3A, %sub3A_77, %div3A : i32
      %dma_wait3A = arith.constant 0 : i32
      %dma_wait3A_78 = tpu.memref_slice %arg7[%select_n3A, %dma_wait3A] : memref<128x208xi32, #tpu.memory_space<vmem>> -> memref<1x104xi32, #tpu.memory_space<vmem>>
      %dma_wait3A_79 = tpu.memref_squeeze %dma_wait3A_78 : memref<1x104xi32, #tpu.memory_space<vmem>> -> memref<104xi32, #tpu.memory_space<vmem>>
      %dma_wait3A_80 = arith.constant 0 : i32
      %dma_wait3A_81 = arith.constant 0 : i32
      %dma_wait3A_82 = tpu.memref_slice %arg2[%dma_wait3A_80, %dma_wait3A_81] : memref<1000000x128xf32, #tpu.memory_space<hbm>> -> memref<1000000x128xf32, #tpu.memory_space<hbm>>
      tpu.wait_indirect_dma semaphore(%arg14 : memref<!tpu.dma_semaphore, #tpu.memory_space<semaphore_mem>>) src(%dma_wait3A_82 : memref<1000000x128xf32, #tpu.memory_space<hbm>>) dst(%arg10 : memref<104x128xf32, #tpu.memory_space<vmem>>)
      %scan3A_83 = arith.constant 0 : i32
      %scan3A_84 = arith.constant 13 : i32
      %scan3A_85 = arith.addi %scan3A_83, %scan3A_84 : i32
      %scan3A_86 = arith.constant 1 : i32
      %scan3A_87:4 = scf.for %scan3A_258 = %scan3A_83 to %scan3A_85 step %scan3A_86 iter_args(%scan3A_259 = %broadcast_in_dim3A_59, %scan3A_260 = %broadcast_in_dim3A_59, %scan3A_261 = %broadcast_in_dim3A_59, %scan3A_262 = %broadcast_in_dim3A_59) -> (vector<16xf32>, vector<16xf32>, vector<16xf32>, vector<16xf32>)  : i32 {
        %mul3A_263 = arith.constant 8 : i32
        %mul3A_264 = arith.muli %scan3A_258, %mul3A_263 : i32
        %get3A_265 = arith.index_cast %mul3A_264 : i32 to index
        %get3A_266 = arith.constant 0 : index
        %get3A_267 = tpu.vector_load %arg10[%get3A_265, %get3A_266] {strides = array<i32>} : memref<104x128xf32, #tpu.memory_space<vmem>>, vector<1x16xf32>,
        %get3A_268 = vector.shape_cast %get3A_267 : vector<1x16xf32> to vector<16xf32>
        %add3A_269 = arith.addf %scan3A_259, %get3A_268 : vector<16xf32>
        %add3A_270 = arith.constant 1 : i32
        %add3A_271 = arith.addi %mul3A_264, %add3A_270 : i32
        %get3A_272 = arith.index_cast %add3A_271 : i32 to index
        %get3A_273 = arith.constant 0 : index
        %get3A_274 = tpu.vector_load %arg10[%get3A_272, %get3A_273] {strides = array<i32>} : memref<104x128xf32, #tpu.memory_space<vmem>>, vector<1x16xf32>,
        %get3A_275 = vector.shape_cast %get3A_274 : vector<1x16xf32> to vector<16xf32>
        %add3A_276 = arith.addf %scan3A_260, %get3A_275 : vector<16xf32>
        %add3A_277 = arith.constant 2 : i32
        %add3A_278 = arith.addi %mul3A_264, %add3A_277 : i32
        %get3A_279 = arith.index_cast %add3A_278 : i32 to index
        %get3A_280 = arith.constant 0 : index
        %get3A_281 = tpu.vector_load %arg10[%get3A_279, %get3A_280] {strides = array<i32>} : memref<104x128xf32, #tpu.memory_space<vmem>>, vector<1x16xf32>,
        %get3A_282 = vector.shape_cast %get3A_281 : vector<1x16xf32> to vector<16xf32>
        %add3A_283 = arith.addf %scan3A_261, %get3A_282 : vector<16xf32>
        %add3A_284 = arith.constant 3 : i32
        %add3A_285 = arith.addi %mul3A_264, %add3A_284 : i32
        %get3A_286 = arith.index_cast %add3A_285 : i32 to index
        %get3A_287 = arith.constant 0 : index
        %get3A_288 = tpu.vector_load %arg10[%get3A_286, %get3A_287] {strides = array<i32>} : memref<104x128xf32, #tpu.memory_space<vmem>>, vector<1x16xf32>,
        %get3A_289 = vector.shape_cast %get3A_288 : vector<1x16xf32> to vector<16xf32>
        %add3A_290 = arith.addf %scan3A_262, %get3A_289 : vector<16xf32>
        %add3A_291 = arith.constant 4 : i32
        %add3A_292 = arith.addi %mul3A_264, %add3A_291 : i32
        %get3A_293 = arith.index_cast %add3A_292 : i32 to index
        %get3A_294 = arith.constant 0 : index
        %get3A_295 = tpu.vector_load %arg10[%get3A_293, %get3A_294] {strides = array<i32>} : memref<104x128xf32, #tpu.memory_space<vmem>>, vector<1x16xf32>,
        %get3A_296 = vector.shape_cast %get3A_295 : vector<1x16xf32> to vector<16xf32>
        %add3A_297 = arith.addf %add3A_269, %get3A_296 : vector<16xf32>
        %add3A_298 = arith.constant 5 : i32
        %add3A_299 = arith.addi %mul3A_264, %add3A_298 : i32
        %get3A_300 = arith.index_cast %add3A_299 : i32 to index
        %get3A_301 = arith.constant 0 : index
        %get3A_302 = tpu.vector_load %arg10[%get3A_300, %get3A_301] {strides = array<i32>} : memref<104x128xf32, #tpu.memory_space<vmem>>, vector<1x16xf32>,
        %get3A_303 = vector.shape_cast %get3A_302 : vector<1x16xf32> to vector<16xf32>
        %add3A_304 = arith.addf %add3A_276, %get3A_303 : vector<16xf32>
        %add3A_305 = arith.constant 6 : i32
        %add3A_306 = arith.addi %mul3A_264, %add3A_305 : i32
        %get3A_307 = arith.index_cast %add3A_306 : i32 to index
        %get3A_308 = arith.constant 0 : index
        %get3A_309 = tpu.vector_load %arg10[%get3A_307, %get3A_308] {strides = array<i32>} : memref<104x128xf32, #tpu.memory_space<vmem>>, vector<1x16xf32>,
        %get3A_310 = vector.shape_cast %get3A_309 : vector<1x16xf32> to vector<16xf32>
        %add3A_311 = arith.addf %add3A_283, %get3A_310 : vector<16xf32>
        %add3A_312 = arith.constant 7 : i32
        %add3A_313 = arith.addi %mul3A_264, %add3A_312 : i32
        %get3A_314 = arith.index_cast %add3A_313 : i32 to index
        %get3A_315 = arith.constant 0 : index
        %get3A_316 = tpu.vector_load %arg10[%get3A_314, %get3A_315] {strides = array<i32>} : memref<104x128xf32, #tpu.memory_space<vmem>>, vector<1x16xf32>,
        %get3A_317 = vector.shape_cast %get3A_316 : vector<1x16xf32> to vector<16xf32>
        %add3A_318 = arith.addf %add3A_290, %get3A_317 : vector<16xf32>
        scf.yield %add3A_297, %add3A_304, %add3A_311, %add3A_318 : vector<16xf32>, vector<16xf32>, vector<16xf32>, vector<16xf32>
      }
      %scan3A_88 = arith.constant 13 : i32
      %add3A_89 = arith.constant 4 : i32
      %add3A_90 = arith.addi %add3A_61, %add3A_89 : i32
      %lt3A = arith.constant 256 : i32
      %lt3A_91 = arith.cmpi slt, %add3A_90, %lt3A : i32
      %convert_element_type3A = arith.extui %lt3A_91 : i1 to i32
      %cond3A = arith.constant 0 : i32
      %cond3A_92 = arith.cmpi ne, %convert_element_type3A, %cond3A : i32
      scf.if %cond3A_92 {
        %add3A_258 = arith.constant 4 : i32
        %add3A_259 = arith.addi %add3A_61, %add3A_258 : i32
        %jit3A_260 = arith.constant 2 : i32
        %div3A_261 = arith.divsi %add3A_259, %jit3A_260 : i32
        %sign3A_262 = arith.constant 0 : i32
        %sign3A_263 = arith.cmpi sgt, %add3A_259, %sign3A_262 : i32
        %sign3A_264 = arith.extui %sign3A_263 : i1 to i32
        %sign3A_265 = arith.constant 0 : i32
        %sign3A_266 = arith.cmpi slt, %add3A_259, %sign3A_265 : i32
        %sign3A_267 = arith.extui %sign3A_266 : i1 to i32
        %sign3A_268 = arith.subi %sign3A_264, %sign3A_267 : i32
        %sign3A_269 = arith.constant 0 : i32
        %sign3A_270 = arith.cmpi sgt, %jit3A_260, %sign3A_269 : i32
        %sign3A_271 = arith.extui %sign3A_270 : i1 to i32
        %sign3A_272 = arith.constant 0 : i32
        %sign3A_273 = arith.cmpi slt, %jit3A_260, %sign3A_272 : i32
        %sign3A_274 = arith.extui %sign3A_273 : i1 to i32
        %sign3A_275 = arith.subi %sign3A_271, %sign3A_274 : i32
        %ne3A_276 = arith.cmpi ne, %sign3A_268, %sign3A_275 : i32
        %rem3A_277 = arith.remsi %add3A_259, %jit3A_260 : i32
        %ne3A_278 = arith.constant 0 : i32
        %ne3A_279 = arith.cmpi ne, %rem3A_277, %ne3A_278 : i32
        %and3A_280 = arith.andi %ne3A_276, %ne3A_279 : i1
        %sub3A_281 = arith.constant 1 : i32
        %sub3A_282 = arith.subi %div3A_261, %sub3A_281 : i32
        %select_n3A_283 = arith.select %and3A_280, %sub3A_282, %div3A_261 : i32
        %dma_start3A_284 = arith.constant 0 : i32
        %dma_start3A_285 = tpu.memref_slice %arg7[%select_n3A_283, %dma_start3A_284] : memref<128x208xi32, #tpu.memory_space<vmem>> -> memref<1x104xi32, #tpu.memory_space<vmem>>
        %dma_start3A_286 = tpu.memref_squeeze %dma_start3A_285 : memref<1x104xi32, #tpu.memory_space<vmem>> -> memref<104xi32, #tpu.memory_space<vmem>>
        %dma_start3A_287 = arith.constant 0 : i32
        %dma_start3A_288 = arith.constant 0 : i32
        %dma_start3A_289 = tpu.memref_slice %arg2[%dma_start3A_287, %dma_start3A_288] : memref<1000000x128xf32, #tpu.memory_space<hbm>> -> memref<1000000x128xf32, #tpu.memory_space<hbm>>
        tpu.enqueue_indirect_dma source(%dma_start3A_289 : memref<1000000x128xf32, #tpu.memory_space<hbm>>) target(%arg10 : memref<104x128xf32, #tpu.memory_space<vmem>>) offsets(%dma_start3A_286 : memref<104xi32, #tpu.memory_space<vmem>>) semaphore(%arg14 : memref<!tpu.dma_semaphore, #tpu.memory_space<semaphore_mem>>)
      } else {
      }
      %add3A_93 = arith.constant 1 : i32
      %add3A_94 = arith.addi %mul3A_54, %add3A_93 : i32
      %jit3A_95 = arith.constant 2 : i32
      %div3A_96 = arith.divsi %add3A_94, %jit3A_95 : i32
      %sign3A_97 = arith.constant 0 : i32
      %sign3A_98 = arith.cmpi sgt, %add3A_94, %sign3A_97 : i32
      %sign3A_99 = arith.extui %sign3A_98 : i1 to i32
      %sign3A_100 = arith.constant 0 : i32
      %sign3A_101 = arith.cmpi slt, %add3A_94, %sign3A_100 : i32
      %sign3A_102 = arith.extui %sign3A_101 : i1 to i32
      %sign3A_103 = arith.subi %sign3A_99, %sign3A_102 : i32
      %sign3A_104 = arith.constant 0 : i32
      %sign3A_105 = arith.cmpi sgt, %jit3A_95, %sign3A_104 : i32
      %sign3A_106 = arith.extui %sign3A_105 : i1 to i32
      %sign3A_107 = arith.constant 0 : i32
      %sign3A_108 = arith.cmpi slt, %jit3A_95, %sign3A_107 : i32
      %sign3A_109 = arith.extui %sign3A_108 : i1 to i32
      %sign3A_110 = arith.subi %sign3A_106, %sign3A_109 : i32
      %ne3A_111 = arith.cmpi ne, %sign3A_103, %sign3A_110 : i32
      %rem3A_112 = arith.remsi %add3A_94, %jit3A_95 : i32
      %ne3A_113 = arith.constant 0 : i32
      %ne3A_114 = arith.cmpi ne, %rem3A_112, %ne3A_113 : i32
      %and3A_115 = arith.andi %ne3A_111, %ne3A_114 : i1
      %sub3A_116 = arith.constant 1 : i32
      %sub3A_117 = arith.subi %div3A_96, %sub3A_116 : i32
      %select_n3A_118 = arith.select %and3A_115, %sub3A_117, %div3A_96 : i32
      %dma_wait3A_119 = arith.constant 0 : i32
      %dma_wait3A_120 = arith.constant 0 : i32
      %dma_wait3A_121 = tpu.memref_slice %arg11[%dma_wait3A_119, %dma_wait3A_120] : memref<104x128xf32, #tpu.memory_space<vmem>> -> memref<96x128xf32, #tpu.memory_space<vmem>>
      %dma_wait3A_122 = arith.constant 104 : i32
      %dma_wait3A_123 = tpu.memref_slice %arg7[%select_n3A_118, %dma_wait3A_122] : memref<128x208xi32, #tpu.memory_space<vmem>> -> memref<1x96xi32, #tpu.memory_space<vmem>>
      %dma_wait3A_124 = tpu.memref_squeeze %dma_wait3A_123 : memref<1x96xi32, #tpu.memory_space<vmem>> -> memref<96xi32, #tpu.memory_space<vmem>>
      %dma_wait3A_125 = arith.constant 0 : i32
      %dma_wait3A_126 = arith.constant 0 : i32
      %dma_wait3A_127 = tpu.memref_slice %arg2[%dma_wait3A_125, %dma_wait3A_126] : memref<1000000x128xf32, #tpu.memory_space<hbm>> -> memref<1000000x128xf32, #tpu.memory_space<hbm>>
      tpu.wait_indirect_dma semaphore(%arg15 : memref<!tpu.dma_semaphore, #tpu.memory_space<semaphore_mem>>) src(%dma_wait3A_127 : memref<1000000x128xf32, #tpu.memory_space<hbm>>) dst(%dma_wait3A_121 : memref<96x128xf32, #tpu.memory_space<vmem>>)
      %scan3A_128 = arith.constant 0 : i32
      %scan3A_129 = arith.constant 12 : i32
      %scan3A_130 = arith.addi %scan3A_128, %scan3A_129 : i32
      %scan3A_131 = arith.constant 1 : i32
      %scan3A_132:4 = scf.for %scan3A_258 = %scan3A_128 to %scan3A_130 step %scan3A_131 iter_args(%scan3A_259 = %scan3A_87#0, %scan3A_260 = %scan3A_87#1, %scan3A_261 = %scan3A_87#2, %scan3A_262 = %scan3A_87#3) -> (vector<16xf32>, vector<16xf32>, vector<16xf32>, vector<16xf32>)  : i32 {
        %mul3A_263 = arith.constant 8 : i32
        %mul3A_264 = arith.muli %scan3A_258, %mul3A_263 : i32
        %get3A_265 = arith.index_cast %mul3A_264 : i32 to index
        %get3A_266 = arith.constant 0 : index
        %get3A_267 = tpu.vector_load %arg11[%get3A_265, %get3A_266] {strides = array<i32>} : memref<104x128xf32, #tpu.memory_space<vmem>>, vector<1x16xf32>,
        %get3A_268 = vector.shape_cast %get3A_267 : vector<1x16xf32> to vector<16xf32>
        %add3A_269 = arith.addf %scan3A_259, %get3A_268 : vector<16xf32>
        %add3A_270 = arith.constant 1 : i32
        %add3A_271 = arith.addi %mul3A_264, %add3A_270 : i32
        %get3A_272 = arith.index_cast %add3A_271 : i32 to index
        %get3A_273 = arith.constant 0 : index
        %get3A_274 = tpu.vector_load %arg11[%get3A_272, %get3A_273] {strides = array<i32>} : memref<104x128xf32, #tpu.memory_space<vmem>>, vector<1x16xf32>,
        %get3A_275 = vector.shape_cast %get3A_274 : vector<1x16xf32> to vector<16xf32>
        %add3A_276 = arith.addf %scan3A_260, %get3A_275 : vector<16xf32>
        %add3A_277 = arith.constant 2 : i32
        %add3A_278 = arith.addi %mul3A_264, %add3A_277 : i32
        %get3A_279 = arith.index_cast %add3A_278 : i32 to index
        %get3A_280 = arith.constant 0 : index
        %get3A_281 = tpu.vector_load %arg11[%get3A_279, %get3A_280] {strides = array<i32>} : memref<104x128xf32, #tpu.memory_space<vmem>>, vector<1x16xf32>,
        %get3A_282 = vector.shape_cast %get3A_281 : vector<1x16xf32> to vector<16xf32>
        %add3A_283 = arith.addf %scan3A_261, %get3A_282 : vector<16xf32>
        %add3A_284 = arith.constant 3 : i32
        %add3A_285 = arith.addi %mul3A_264, %add3A_284 : i32
        %get3A_286 = arith.index_cast %add3A_285 : i32 to index
        %get3A_287 = arith.constant 0 : index
        %get3A_288 = tpu.vector_load %arg11[%get3A_286, %get3A_287] {strides = array<i32>} : memref<104x128xf32, #tpu.memory_space<vmem>>, vector<1x16xf32>,
        %get3A_289 = vector.shape_cast %get3A_288 : vector<1x16xf32> to vector<16xf32>
        %add3A_290 = arith.addf %scan3A_262, %get3A_289 : vector<16xf32>
        %add3A_291 = arith.constant 4 : i32
        %add3A_292 = arith.addi %mul3A_264, %add3A_291 : i32
        %get3A_293 = arith.index_cast %add3A_292 : i32 to index
        %get3A_294 = arith.constant 0 : index
        %get3A_295 = tpu.vector_load %arg11[%get3A_293, %get3A_294] {strides = array<i32>} : memref<104x128xf32, #tpu.memory_space<vmem>>, vector<1x16xf32>,
        %get3A_296 = vector.shape_cast %get3A_295 : vector<1x16xf32> to vector<16xf32>
        %add3A_297 = arith.addf %add3A_269, %get3A_296 : vector<16xf32>
        %add3A_298 = arith.constant 5 : i32
        %add3A_299 = arith.addi %mul3A_264, %add3A_298 : i32
        %get3A_300 = arith.index_cast %add3A_299 : i32 to index
        %get3A_301 = arith.constant 0 : index
        %get3A_302 = tpu.vector_load %arg11[%get3A_300, %get3A_301] {strides = array<i32>} : memref<104x128xf32, #tpu.memory_space<vmem>>, vector<1x16xf32>,
        %get3A_303 = vector.shape_cast %get3A_302 : vector<1x16xf32> to vector<16xf32>
        %add3A_304 = arith.addf %add3A_276, %get3A_303 : vector<16xf32>
        %add3A_305 = arith.constant 6 : i32
        %add3A_306 = arith.addi %mul3A_264, %add3A_305 : i32
        %get3A_307 = arith.index_cast %add3A_306 : i32 to index
        %get3A_308 = arith.constant 0 : index
        %get3A_309 = tpu.vector_load %arg11[%get3A_307, %get3A_308] {strides = array<i32>} : memref<104x128xf32, #tpu.memory_space<vmem>>, vector<1x16xf32>,
        %get3A_310 = vector.shape_cast %get3A_309 : vector<1x16xf32> to vector<16xf32>
        %add3A_311 = arith.addf %add3A_283, %get3A_310 : vector<16xf32>
        %add3A_312 = arith.constant 7 : i32
        %add3A_313 = arith.addi %mul3A_264, %add3A_312 : i32
        %get3A_314 = arith.index_cast %add3A_313 : i32 to index
        %get3A_315 = arith.constant 0 : index
        %get3A_316 = tpu.vector_load %arg11[%get3A_314, %get3A_315] {strides = array<i32>} : memref<104x128xf32, #tpu.memory_space<vmem>>, vector<1x16xf32>,
        %get3A_317 = vector.shape_cast %get3A_316 : vector<1x16xf32> to vector<16xf32>
        %add3A_318 = arith.addf %add3A_290, %get3A_317 : vector<16xf32>
        scf.yield %add3A_297, %add3A_304, %add3A_311, %add3A_318 : vector<16xf32>, vector<16xf32>, vector<16xf32>, vector<16xf32>
      }
      %scan3A_133 = arith.constant 12 : i32
      %add3A_134 = arith.constant 4 : i32
      %add3A_135 = arith.addi %add3A_94, %add3A_134 : i32
      %lt3A_136 = arith.constant 256 : i32
      %lt3A_137 = arith.cmpi slt, %add3A_135, %lt3A_136 : i32
      %convert_element_type3A_138 = arith.extui %lt3A_137 : i1 to i32
      %cond3A_139 = arith.constant 0 : i32
      %cond3A_140 = arith.cmpi ne, %convert_element_type3A_138, %cond3A_139 : i32
      scf.if %cond3A_140 {
        %add3A_258 = arith.constant 4 : i32
        %add3A_259 = arith.addi %add3A_94, %add3A_258 : i32
        %jit3A_260 = arith.constant 2 : i32
        %div3A_261 = arith.divsi %add3A_259, %jit3A_260 : i32
        %sign3A_262 = arith.constant 0 : i32
        %sign3A_263 = arith.cmpi sgt, %add3A_259, %sign3A_262 : i32
        %sign3A_264 = arith.extui %sign3A_263 : i1 to i32
        %sign3A_265 = arith.constant 0 : i32
        %sign3A_266 = arith.cmpi slt, %add3A_259, %sign3A_265 : i32
        %sign3A_267 = arith.extui %sign3A_266 : i1 to i32
        %sign3A_268 = arith.subi %sign3A_264, %sign3A_267 : i32
        %sign3A_269 = arith.constant 0 : i32
        %sign3A_270 = arith.cmpi sgt, %jit3A_260, %sign3A_269 : i32
        %sign3A_271 = arith.extui %sign3A_270 : i1 to i32
        %sign3A_272 = arith.constant 0 : i32
        %sign3A_273 = arith.cmpi slt, %jit3A_260, %sign3A_272 : i32
        %sign3A_274 = arith.extui %sign3A_273 : i1 to i32
        %sign3A_275 = arith.subi %sign3A_271, %sign3A_274 : i32
        %ne3A_276 = arith.cmpi ne, %sign3A_268, %sign3A_275 : i32
        %rem3A_277 = arith.remsi %add3A_259, %jit3A_260 : i32
        %ne3A_278 = arith.constant 0 : i32
        %ne3A_279 = arith.cmpi ne, %rem3A_277, %ne3A_278 : i32
        %and3A_280 = arith.andi %ne3A_276, %ne3A_279 : i1
        %sub3A_281 = arith.constant 1 : i32
        %sub3A_282 = arith.subi %div3A_261, %sub3A_281 : i32
        %select_n3A_283 = arith.select %and3A_280, %sub3A_282, %div3A_261 : i32
        %dma_start3A_284 = arith.constant 0 : i32
        %dma_start3A_285 = arith.constant 0 : i32
        %dma_start3A_286 = tpu.memref_slice %arg11[%dma_start3A_284, %dma_start3A_285] : memref<104x128xf32, #tpu.memory_space<vmem>> -> memref<96x128xf32, #tpu.memory_space<vmem>>
        %dma_start3A_287 = arith.constant 104 : i32
        %dma_start3A_288 = tpu.memref_slice %arg7[%select_n3A_283, %dma_start3A_287] : memref<128x208xi32, #tpu.memory_space<vmem>> -> memref<1x96xi32, #tpu.memory_space<vmem>>
        %dma_start3A_289 = tpu.memref_squeeze %dma_start3A_288 : memref<1x96xi32, #tpu.memory_space<vmem>> -> memref<96xi32, #tpu.memory_space<vmem>>
        %dma_start3A_290 = arith.constant 0 : i32
        %dma_start3A_291 = arith.constant 0 : i32
        %dma_start3A_292 = tpu.memref_slice %arg2[%dma_start3A_290, %dma_start3A_291] : memref<1000000x128xf32, #tpu.memory_space<hbm>> -> memref<1000000x128xf32, #tpu.memory_space<hbm>>
        tpu.enqueue_indirect_dma source(%dma_start3A_292 : memref<1000000x128xf32, #tpu.memory_space<hbm>>) target(%dma_start3A_286 : memref<96x128xf32, #tpu.memory_space<vmem>>) offsets(%dma_start3A_289 : memref<96xi32, #tpu.memory_space<vmem>>) semaphore(%arg15 : memref<!tpu.dma_semaphore, #tpu.memory_space<semaphore_mem>>)
      } else {
      }
      %add3A_141 = arith.addf %scan3A_132#0, %scan3A_132#1 : vector<16xf32>
      %add3A_142 = arith.addf %scan3A_132#2, %scan3A_132#3 : vector<16xf32>
      %add3A_143 = arith.addf %add3A_141, %add3A_142 : vector<16xf32>
      %add3A_144 = arith.addf %add3A_143, %get3A_43 : vector<16xf32>
      %swap3A = arith.index_cast %add3A_58 : i32 to index
      %swap3A_145 = arith.constant 0 : index
      %swap3A_146 = tpu.vector_load %arg8[%swap3A, %swap3A_145] {strides = array<i32>} : memref<128x16xf32, #tpu.memory_space<vmem>>, vector<1x16xf32>,
      %swap3A_147 = vector.shape_cast %swap3A_146 : vector<1x16xf32> to vector<16xf32>
      %swap3A_148 = vector.shape_cast %add3A_144 : vector<16xf32> to vector<1x16xf32>
      tpu.vector_store %arg8[%swap3A, %swap3A_145], %swap3A_148 {strides = array<i32>} : memref<128x16xf32, #tpu.memory_space<vmem>>, vector<1x16xf32>,
      %mul3A_149 = arith.constant 2 : i32
      %mul3A_150 = arith.muli %mul3A_149, %scan3A_51 : i32
      %add3A_151 = arith.constant 1 : i32
      %add3A_152 = arith.addi %mul3A_150, %add3A_151 : i32
      %broadcast_in_dim3A_153 = arith.constant 0.000000e+00 : f32
      %broadcast_in_dim3A_154 = vector.broadcast %broadcast_in_dim3A_153 : f32 to vector<16xf32>
      %add3A_155 = arith.constant 2 : i32
      %add3A_156 = arith.addi %mul3A_54, %add3A_155 : i32
      %jit3A_157 = arith.constant 2 : i32
      %div3A_158 = arith.divsi %add3A_156, %jit3A_157 : i32
      %sign3A_159 = arith.constant 0 : i32
      %sign3A_160 = arith.cmpi sgt, %add3A_156, %sign3A_159 : i32
      %sign3A_161 = arith.extui %sign3A_160 : i1 to i32
      %sign3A_162 = arith.constant 0 : i32
      %sign3A_163 = arith.cmpi slt, %add3A_156, %sign3A_162 : i32
      %sign3A_164 = arith.extui %sign3A_163 : i1 to i32
      %sign3A_165 = arith.subi %sign3A_161, %sign3A_164 : i32
      %sign3A_166 = arith.constant 0 : i32
      %sign3A_167 = arith.cmpi sgt, %jit3A_157, %sign3A_166 : i32
      %sign3A_168 = arith.extui %sign3A_167 : i1 to i32
      %sign3A_169 = arith.constant 0 : i32
      %sign3A_170 = arith.cmpi slt, %jit3A_157, %sign3A_169 : i32
      %sign3A_171 = arith.extui %sign3A_170 : i1 to i32
      %sign3A_172 = arith.subi %sign3A_168, %sign3A_171 : i32
      %ne3A_173 = arith.cmpi ne, %sign3A_165, %sign3A_172 : i32
      %rem3A_174 = arith.remsi %add3A_156, %jit3A_157 : i32
      %ne3A_175 = arith.constant 0 : i32
      %ne3A_176 = arith.cmpi ne, %rem3A_174, %ne3A_175 : i32
      %and3A_177 = arith.andi %ne3A_173, %ne3A_176 : i1
      %sub3A_178 = arith.constant 1 : i32
      %sub3A_179 = arith.subi %div3A_158, %sub3A_178 : i32
      %select_n3A_180 = arith.select %and3A_177, %sub3A_179, %div3A_158 : i32
      %dma_wait3A_181 = arith.constant 0 : i32
      %dma_wait3A_182 = tpu.memref_slice %arg7[%select_n3A_180, %dma_wait3A_181] : memref<128x208xi32, #tpu.memory_space<vmem>> -> memref<1x104xi32, #tpu.memory_space<vmem>>
      %dma_wait3A_183 = tpu.memref_squeeze %dma_wait3A_182 : memref<1x104xi32, #tpu.memory_space<vmem>> -> memref<104xi32, #tpu.memory_space<vmem>>
      %dma_wait3A_184 = arith.constant 0 : i32
      %dma_wait3A_185 = arith.constant 0 : i32
      %dma_wait3A_186 = tpu.memref_slice %arg2[%dma_wait3A_184, %dma_wait3A_185] : memref<1000000x128xf32, #tpu.memory_space<hbm>> -> memref<1000000x128xf32, #tpu.memory_space<hbm>>
      tpu.wait_indirect_dma semaphore(%arg16 : memref<!tpu.dma_semaphore, #tpu.memory_space<semaphore_mem>>) src(%dma_wait3A_186 : memref<1000000x128xf32, #tpu.memory_space<hbm>>) dst(%arg12 : memref<104x128xf32, #tpu.memory_space<vmem>>)
      %scan3A_187 = arith.constant 0 : i32
      %scan3A_188 = arith.constant 13 : i32
      %scan3A_189 = arith.addi %scan3A_187, %scan3A_188 : i32
      %scan3A_190 = arith.constant 1 : i32
      %scan3A_191:4 = scf.for %scan3A_258 = %scan3A_187 to %scan3A_189 step %scan3A_190 iter_args(%scan3A_259 = %broadcast_in_dim3A_154, %scan3A_260 = %broadcast_in_dim3A_154, %scan3A_261 = %broadcast_in_dim3A_154, %scan3A_262 = %broadcast_in_dim3A_154) -> (vector<16xf32>, vector<16xf32>, vector<16xf32>, vector<16xf32>)  : i32 {
        %mul3A_263 = arith.constant 8 : i32
        %mul3A_264 = arith.muli %scan3A_258, %mul3A_263 : i32
        %get3A_265 = arith.index_cast %mul3A_264 : i32 to index
        %get3A_266 = arith.constant 0 : index
        %get3A_267 = tpu.vector_load %arg12[%get3A_265, %get3A_266] {strides = array<i32>} : memref<104x128xf32, #tpu.memory_space<vmem>>, vector<1x16xf32>,
        %get3A_268 = vector.shape_cast %get3A_267 : vector<1x16xf32> to vector<16xf32>
        %add3A_269 = arith.addf %scan3A_259, %get3A_268 : vector<16xf32>
        %add3A_270 = arith.constant 1 : i32
        %add3A_271 = arith.addi %mul3A_264, %add3A_270 : i32
        %get3A_272 = arith.index_cast %add3A_271 : i32 to index
        %get3A_273 = arith.constant 0 : index
        %get3A_274 = tpu.vector_load %arg12[%get3A_272, %get3A_273] {strides = array<i32>} : memref<104x128xf32, #tpu.memory_space<vmem>>, vector<1x16xf32>,
        %get3A_275 = vector.shape_cast %get3A_274 : vector<1x16xf32> to vector<16xf32>
        %add3A_276 = arith.addf %scan3A_260, %get3A_275 : vector<16xf32>
        %add3A_277 = arith.constant 2 : i32
        %add3A_278 = arith.addi %mul3A_264, %add3A_277 : i32
        %get3A_279 = arith.index_cast %add3A_278 : i32 to index
        %get3A_280 = arith.constant 0 : index
        %get3A_281 = tpu.vector_load %arg12[%get3A_279, %get3A_280] {strides = array<i32>} : memref<104x128xf32, #tpu.memory_space<vmem>>, vector<1x16xf32>,
        %get3A_282 = vector.shape_cast %get3A_281 : vector<1x16xf32> to vector<16xf32>
        %add3A_283 = arith.addf %scan3A_261, %get3A_282 : vector<16xf32>
        %add3A_284 = arith.constant 3 : i32
        %add3A_285 = arith.addi %mul3A_264, %add3A_284 : i32
        %get3A_286 = arith.index_cast %add3A_285 : i32 to index
        %get3A_287 = arith.constant 0 : index
        %get3A_288 = tpu.vector_load %arg12[%get3A_286, %get3A_287] {strides = array<i32>} : memref<104x128xf32, #tpu.memory_space<vmem>>, vector<1x16xf32>,
        %get3A_289 = vector.shape_cast %get3A_288 : vector<1x16xf32> to vector<16xf32>
        %add3A_290 = arith.addf %scan3A_262, %get3A_289 : vector<16xf32>
        %add3A_291 = arith.constant 4 : i32
        %add3A_292 = arith.addi %mul3A_264, %add3A_291 : i32
        %get3A_293 = arith.index_cast %add3A_292 : i32 to index
        %get3A_294 = arith.constant 0 : index
        %get3A_295 = tpu.vector_load %arg12[%get3A_293, %get3A_294] {strides = array<i32>} : memref<104x128xf32, #tpu.memory_space<vmem>>, vector<1x16xf32>,
        %get3A_296 = vector.shape_cast %get3A_295 : vector<1x16xf32> to vector<16xf32>
        %add3A_297 = arith.addf %add3A_269, %get3A_296 : vector<16xf32>
        %add3A_298 = arith.constant 5 : i32
        %add3A_299 = arith.addi %mul3A_264, %add3A_298 : i32
        %get3A_300 = arith.index_cast %add3A_299 : i32 to index
        %get3A_301 = arith.constant 0 : index
        %get3A_302 = tpu.vector_load %arg12[%get3A_300, %get3A_301] {strides = array<i32>} : memref<104x128xf32, #tpu.memory_space<vmem>>, vector<1x16xf32>,
        %get3A_303 = vector.shape_cast %get3A_302 : vector<1x16xf32> to vector<16xf32>
        %add3A_304 = arith.addf %add3A_276, %get3A_303 : vector<16xf32>
        %add3A_305 = arith.constant 6 : i32
        %add3A_306 = arith.addi %mul3A_264, %add3A_305 : i32
        %get3A_307 = arith.index_cast %add3A_306 : i32 to index
        %get3A_308 = arith.constant 0 : index
        %get3A_309 = tpu.vector_load %arg12[%get3A_307, %get3A_308] {strides = array<i32>} : memref<104x128xf32, #tpu.memory_space<vmem>>, vector<1x16xf32>,
        %get3A_310 = vector.shape_cast %get3A_309 : vector<1x16xf32> to vector<16xf32>
        %add3A_311 = arith.addf %add3A_283, %get3A_310 : vector<16xf32>
        %add3A_312 = arith.constant 7 : i32
        %add3A_313 = arith.addi %mul3A_264, %add3A_312 : i32
        %get3A_314 = arith.index_cast %add3A_313 : i32 to index
        %get3A_315 = arith.constant 0 : index
        %get3A_316 = tpu.vector_load %arg12[%get3A_314, %get3A_315] {strides = array<i32>} : memref<104x128xf32, #tpu.memory_space<vmem>>, vector<1x16xf32>,
        %get3A_317 = vector.shape_cast %get3A_316 : vector<1x16xf32> to vector<16xf32>
        %add3A_318 = arith.addf %add3A_290, %get3A_317 : vector<16xf32>
        scf.yield %add3A_297, %add3A_304, %add3A_311, %add3A_318 : vector<16xf32>, vector<16xf32>, vector<16xf32>, vector<16xf32>
      }
      %scan3A_192 = arith.constant 13 : i32
      %add3A_193 = arith.constant 4 : i32
      %add3A_194 = arith.addi %add3A_156, %add3A_193 : i32
      %lt3A_195 = arith.constant 256 : i32
      %lt3A_196 = arith.cmpi slt, %add3A_194, %lt3A_195 : i32
      %convert_element_type3A_197 = arith.extui %lt3A_196 : i1 to i32
      %cond3A_198 = arith.constant 0 : i32
      %cond3A_199 = arith.cmpi ne, %convert_element_type3A_197, %cond3A_198 : i32
      scf.if %cond3A_199 {
        %add3A_258 = arith.constant 4 : i32
        %add3A_259 = arith.addi %add3A_156, %add3A_258 : i32
        %jit3A_260 = arith.constant 2 : i32
        %div3A_261 = arith.divsi %add3A_259, %jit3A_260 : i32
        %sign3A_262 = arith.constant 0 : i32
        %sign3A_263 = arith.cmpi sgt, %add3A_259, %sign3A_262 : i32
        %sign3A_264 = arith.extui %sign3A_263 : i1 to i32
        %sign3A_265 = arith.constant 0 : i32
        %sign3A_266 = arith.cmpi slt, %add3A_259, %sign3A_265 : i32
        %sign3A_267 = arith.extui %sign3A_266 : i1 to i32
        %sign3A_268 = arith.subi %sign3A_264, %sign3A_267 : i32
        %sign3A_269 = arith.constant 0 : i32
        %sign3A_270 = arith.cmpi sgt, %jit3A_260, %sign3A_269 : i32
        %sign3A_271 = arith.extui %sign3A_270 : i1 to i32
        %sign3A_272 = arith.constant 0 : i32
        %sign3A_273 = arith.cmpi slt, %jit3A_260, %sign3A_272 : i32
        %sign3A_274 = arith.extui %sign3A_273 : i1 to i32
        %sign3A_275 = arith.subi %sign3A_271, %sign3A_274 : i32
        %ne3A_276 = arith.cmpi ne, %sign3A_268, %sign3A_275 : i32
        %rem3A_277 = arith.remsi %add3A_259, %jit3A_260 : i32
        %ne3A_278 = arith.constant 0 : i32
        %ne3A_279 = arith.cmpi ne, %rem3A_277, %ne3A_278 : i32
        %and3A_280 = arith.andi %ne3A_276, %ne3A_279 : i1
        %sub3A_281 = arith.constant 1 : i32
        %sub3A_282 = arith.subi %div3A_261, %sub3A_281 : i32
        %select_n3A_283 = arith.select %and3A_280, %sub3A_282, %div3A_261 : i32
        %dma_start3A_284 = arith.constant 0 : i32
        %dma_start3A_285 = tpu.memref_slice %arg7[%select_n3A_283, %dma_start3A_284] : memref<128x208xi32, #tpu.memory_space<vmem>> -> memref<1x104xi32, #tpu.memory_space<vmem>>
        %dma_start3A_286 = tpu.memref_squeeze %dma_start3A_285 : memref<1x104xi32, #tpu.memory_space<vmem>> -> memref<104xi32, #tpu.memory_space<vmem>>
        %dma_start3A_287 = arith.constant 0 : i32
        %dma_start3A_288 = arith.constant 0 : i32
        %dma_start3A_289 = tpu.memref_slice %arg2[%dma_start3A_287, %dma_start3A_288] : memref<1000000x128xf32, #tpu.memory_space<hbm>> -> memref<1000000x128xf32, #tpu.memory_space<hbm>>
        tpu.enqueue_indirect_dma source(%dma_start3A_289 : memref<1000000x128xf32, #tpu.memory_space<hbm>>) target(%arg12 : memref<104x128xf32, #tpu.memory_space<vmem>>) offsets(%dma_start3A_286 : memref<104xi32, #tpu.memory_space<vmem>>) semaphore(%arg16 : memref<!tpu.dma_semaphore, #tpu.memory_space<semaphore_mem>>)
      } else {
      }
      %add3A_200 = arith.constant 3 : i32
      %add3A_201 = arith.addi %mul3A_54, %add3A_200 : i32
      %jit3A_202 = arith.constant 2 : i32
      %div3A_203 = arith.divsi %add3A_201, %jit3A_202 : i32
      %sign3A_204 = arith.constant 0 : i32
      %sign3A_205 = arith.cmpi sgt, %add3A_201, %sign3A_204 : i32
      %sign3A_206 = arith.extui %sign3A_205 : i1 to i32
      %sign3A_207 = arith.constant 0 : i32
      %sign3A_208 = arith.cmpi slt, %add3A_201, %sign3A_207 : i32
      %sign3A_209 = arith.extui %sign3A_208 : i1 to i32
      %sign3A_210 = arith.subi %sign3A_206, %sign3A_209 : i32
      %sign3A_211 = arith.constant 0 : i32
      %sign3A_212 = arith.cmpi sgt, %jit3A_202, %sign3A_211 : i32
      %sign3A_213 = arith.extui %sign3A_212 : i1 to i32
      %sign3A_214 = arith.constant 0 : i32
      %sign3A_215 = arith.cmpi slt, %jit3A_202, %sign3A_214 : i32
      %sign3A_216 = arith.extui %sign3A_215 : i1 to i32
      %sign3A_217 = arith.subi %sign3A_213, %sign3A_216 : i32
      %ne3A_218 = arith.cmpi ne, %sign3A_210, %sign3A_217 : i32
      %rem3A_219 = arith.remsi %add3A_201, %jit3A_202 : i32
      %ne3A_220 = arith.constant 0 : i32
      %ne3A_221 = arith.cmpi ne, %rem3A_219, %ne3A_220 : i32
      %and3A_222 = arith.andi %ne3A_218, %ne3A_221 : i1
      %sub3A_223 = arith.constant 1 : i32
      %sub3A_224 = arith.subi %div3A_203, %sub3A_223 : i32
      %select_n3A_225 = arith.select %and3A_222, %sub3A_224, %div3A_203 : i32
      %dma_wait3A_226 = arith.constant 0 : i32
      %dma_wait3A_227 = arith.constant 0 : i32
      %dma_wait3A_228 = tpu.memref_slice %arg13[%dma_wait3A_226, %dma_wait3A_227] : memref<104x128xf32, #tpu.memory_space<vmem>> -> memref<96x128xf32, #tpu.memory_space<vmem>>
      %dma_wait3A_229 = arith.constant 104 : i32
      %dma_wait3A_230 = tpu.memref_slice %arg7[%select_n3A_225, %dma_wait3A_229] : memref<128x208xi32, #tpu.memory_space<vmem>> -> memref<1x96xi32, #tpu.memory_space<vmem>>
      %dma_wait3A_231 = tpu.memref_squeeze %dma_wait3A_230 : memref<1x96xi32, #tpu.memory_space<vmem>> -> memref<96xi32, #tpu.memory_space<vmem>>
      %dma_wait3A_232 = arith.constant 0 : i32
      %dma_wait3A_233 = arith.constant 0 : i32
      %dma_wait3A_234 = tpu.memref_slice %arg2[%dma_wait3A_232, %dma_wait3A_233] : memref<1000000x128xf32, #tpu.memory_space<hbm>> -> memref<1000000x128xf32, #tpu.memory_space<hbm>>
      tpu.wait_indirect_dma semaphore(%arg17 : memref<!tpu.dma_semaphore, #tpu.memory_space<semaphore_mem>>) src(%dma_wait3A_234 : memref<1000000x128xf32, #tpu.memory_space<hbm>>) dst(%dma_wait3A_228 : memref<96x128xf32, #tpu.memory_space<vmem>>)
      %scan3A_235 = arith.constant 0 : i32
      %scan3A_236 = arith.constant 12 : i32
      %scan3A_237 = arith.addi %scan3A_235, %scan3A_236 : i32
      %scan3A_238 = arith.constant 1 : i32
      %scan3A_239:4 = scf.for %scan3A_258 = %scan3A_235 to %scan3A_237 step %scan3A_238 iter_args(%scan3A_259 = %scan3A_191#0, %scan3A_260 = %scan3A_191#1, %scan3A_261 = %scan3A_191#2, %scan3A_262 = %scan3A_191#3) -> (vector<16xf32>, vector<16xf32>, vector<16xf32>, vector<16xf32>)  : i32 {
        %mul3A_263 = arith.constant 8 : i32
        %mul3A_264 = arith.muli %scan3A_258, %mul3A_263 : i32
        %get3A_265 = arith.index_cast %mul3A_264 : i32 to index
        %get3A_266 = arith.constant 0 : index
        %get3A_267 = tpu.vector_load %arg13[%get3A_265, %get3A_266] {strides = array<i32>} : memref<104x128xf32, #tpu.memory_space<vmem>>, vector<1x16xf32>,
        %get3A_268 = vector.shape_cast %get3A_267 : vector<1x16xf32> to vector<16xf32>
        %add3A_269 = arith.addf %scan3A_259, %get3A_268 : vector<16xf32>
        %add3A_270 = arith.constant 1 : i32
        %add3A_271 = arith.addi %mul3A_264, %add3A_270 : i32
        %get3A_272 = arith.index_cast %add3A_271 : i32 to index
        %get3A_273 = arith.constant 0 : index
        %get3A_274 = tpu.vector_load %arg13[%get3A_272, %get3A_273] {strides = array<i32>} : memref<104x128xf32, #tpu.memory_space<vmem>>, vector<1x16xf32>,
        %get3A_275 = vector.shape_cast %get3A_274 : vector<1x16xf32> to vector<16xf32>
        %add3A_276 = arith.addf %scan3A_260, %get3A_275 : vector<16xf32>
        %add3A_277 = arith.constant 2 : i32
        %add3A_278 = arith.addi %mul3A_264, %add3A_277 : i32
        %get3A_279 = arith.index_cast %add3A_278 : i32 to index
        %get3A_280 = arith.constant 0 : index
        %get3A_281 = tpu.vector_load %arg13[%get3A_279, %get3A_280] {strides = array<i32>} : memref<104x128xf32, #tpu.memory_space<vmem>>, vector<1x16xf32>,
        %get3A_282 = vector.shape_cast %get3A_281 : vector<1x16xf32> to vector<16xf32>
        %add3A_283 = arith.addf %scan3A_261, %get3A_282 : vector<16xf32>
        %add3A_284 = arith.constant 3 : i32
        %add3A_285 = arith.addi %mul3A_264, %add3A_284 : i32
        %get3A_286 = arith.index_cast %add3A_285 : i32 to index
        %get3A_287 = arith.constant 0 : index
        %get3A_288 = tpu.vector_load %arg13[%get3A_286, %get3A_287] {strides = array<i32>} : memref<104x128xf32, #tpu.memory_space<vmem>>, vector<1x16xf32>,
        %get3A_289 = vector.shape_cast %get3A_288 : vector<1x16xf32> to vector<16xf32>
        %add3A_290 = arith.addf %scan3A_262, %get3A_289 : vector<16xf32>
        %add3A_291 = arith.constant 4 : i32
        %add3A_292 = arith.addi %mul3A_264, %add3A_291 : i32
        %get3A_293 = arith.index_cast %add3A_292 : i32 to index
        %get3A_294 = arith.constant 0 : index
        %get3A_295 = tpu.vector_load %arg13[%get3A_293, %get3A_294] {strides = array<i32>} : memref<104x128xf32, #tpu.memory_space<vmem>>, vector<1x16xf32>,
        %get3A_296 = vector.shape_cast %get3A_295 : vector<1x16xf32> to vector<16xf32>
        %add3A_297 = arith.addf %add3A_269, %get3A_296 : vector<16xf32>
        %add3A_298 = arith.constant 5 : i32
        %add3A_299 = arith.addi %mul3A_264, %add3A_298 : i32
        %get3A_300 = arith.index_cast %add3A_299 : i32 to index
        %get3A_301 = arith.constant 0 : index
        %get3A_302 = tpu.vector_load %arg13[%get3A_300, %get3A_301] {strides = array<i32>} : memref<104x128xf32, #tpu.memory_space<vmem>>, vector<1x16xf32>,
        %get3A_303 = vector.shape_cast %get3A_302 : vector<1x16xf32> to vector<16xf32>
        %add3A_304 = arith.addf %add3A_276, %get3A_303 : vector<16xf32>
        %add3A_305 = arith.constant 6 : i32
        %add3A_306 = arith.addi %mul3A_264, %add3A_305 : i32
        %get3A_307 = arith.index_cast %add3A_306 : i32 to index
        %get3A_308 = arith.constant 0 : index
        %get3A_309 = tpu.vector_load %arg13[%get3A_307, %get3A_308] {strides = array<i32>} : memref<104x128xf32, #tpu.memory_space<vmem>>, vector<1x16xf32>,
        %get3A_310 = vector.shape_cast %get3A_309 : vector<1x16xf32> to vector<16xf32>
        %add3A_311 = arith.addf %add3A_283, %get3A_310 : vector<16xf32>
        %add3A_312 = arith.constant 7 : i32
        %add3A_313 = arith.addi %mul3A_264, %add3A_312 : i32
        %get3A_314 = arith.index_cast %add3A_313 : i32 to index
        %get3A_315 = arith.constant 0 : index
        %get3A_316 = tpu.vector_load %arg13[%get3A_314, %get3A_315] {strides = array<i32>} : memref<104x128xf32, #tpu.memory_space<vmem>>, vector<1x16xf32>,
        %get3A_317 = vector.shape_cast %get3A_316 : vector<1x16xf32> to vector<16xf32>
        %add3A_318 = arith.addf %add3A_290, %get3A_317 : vector<16xf32>
        scf.yield %add3A_297, %add3A_304, %add3A_311, %add3A_318 : vector<16xf32>, vector<16xf32>, vector<16xf32>, vector<16xf32>
      }
      %scan3A_240 = arith.constant 12 : i32
      %add3A_241 = arith.constant 4 : i32
      %add3A_242 = arith.addi %add3A_201, %add3A_241 : i32
      %lt3A_243 = arith.constant 256 : i32
      %lt3A_244 = arith.cmpi slt, %add3A_242, %lt3A_243 : i32
      %convert_element_type3A_245 = arith.extui %lt3A_244 : i1 to i32
      %cond3A_246 = arith.constant 0 : i32
      %cond3A_247 = arith.cmpi ne, %convert_element_type3A_245, %cond3A_246 : i32
      scf.if %cond3A_247 {
        %add3A_258 = arith.constant 4 : i32
        %add3A_259 = arith.addi %add3A_201, %add3A_258 : i32
        %jit3A_260 = arith.constant 2 : i32
        %div3A_261 = arith.divsi %add3A_259, %jit3A_260 : i32
        %sign3A_262 = arith.constant 0 : i32
        %sign3A_263 = arith.cmpi sgt, %add3A_259, %sign3A_262 : i32
        %sign3A_264 = arith.extui %sign3A_263 : i1 to i32
        %sign3A_265 = arith.constant 0 : i32
        %sign3A_266 = arith.cmpi slt, %add3A_259, %sign3A_265 : i32
        %sign3A_267 = arith.extui %sign3A_266 : i1 to i32
        %sign3A_268 = arith.subi %sign3A_264, %sign3A_267 : i32
        %sign3A_269 = arith.constant 0 : i32
        %sign3A_270 = arith.cmpi sgt, %jit3A_260, %sign3A_269 : i32
        %sign3A_271 = arith.extui %sign3A_270 : i1 to i32
        %sign3A_272 = arith.constant 0 : i32
        %sign3A_273 = arith.cmpi slt, %jit3A_260, %sign3A_272 : i32
        %sign3A_274 = arith.extui %sign3A_273 : i1 to i32
        %sign3A_275 = arith.subi %sign3A_271, %sign3A_274 : i32
        %ne3A_276 = arith.cmpi ne, %sign3A_268, %sign3A_275 : i32
        %rem3A_277 = arith.remsi %add3A_259, %jit3A_260 : i32
        %ne3A_278 = arith.constant 0 : i32
        %ne3A_279 = arith.cmpi ne, %rem3A_277, %ne3A_278 : i32
        %and3A_280 = arith.andi %ne3A_276, %ne3A_279 : i1
        %sub3A_281 = arith.constant 1 : i32
        %sub3A_282 = arith.subi %div3A_261, %sub3A_281 : i32
        %select_n3A_283 = arith.select %and3A_280, %sub3A_282, %div3A_261 : i32
        %dma_start3A_284 = arith.constant 0 : i32
        %dma_start3A_285 = arith.constant 0 : i32
        %dma_start3A_286 = tpu.memref_slice %arg13[%dma_start3A_284, %dma_start3A_285] : memref<104x128xf32, #tpu.memory_space<vmem>> -> memref<96x128xf32, #tpu.memory_space<vmem>>
        %dma_start3A_287 = arith.constant 104 : i32
        %dma_start3A_288 = tpu.memref_slice %arg7[%select_n3A_283, %dma_start3A_287] : memref<128x208xi32, #tpu.memory_space<vmem>> -> memref<1x96xi32, #tpu.memory_space<vmem>>
        %dma_start3A_289 = tpu.memref_squeeze %dma_start3A_288 : memref<1x96xi32, #tpu.memory_space<vmem>> -> memref<96xi32, #tpu.memory_space<vmem>>
        %dma_start3A_290 = arith.constant 0 : i32
        %dma_start3A_291 = arith.constant 0 : i32
        %dma_start3A_292 = tpu.memref_slice %arg2[%dma_start3A_290, %dma_start3A_291] : memref<1000000x128xf32, #tpu.memory_space<hbm>> -> memref<1000000x128xf32, #tpu.memory_space<hbm>>
        tpu.enqueue_indirect_dma source(%dma_start3A_292 : memref<1000000x128xf32, #tpu.memory_space<hbm>>) target(%dma_start3A_286 : memref<96x128xf32, #tpu.memory_space<vmem>>) offsets(%dma_start3A_289 : memref<96xi32, #tpu.memory_space<vmem>>) semaphore(%arg17 : memref<!tpu.dma_semaphore, #tpu.memory_space<semaphore_mem>>)
      } else {
      }
      %add3A_248 = arith.addf %scan3A_239#0, %scan3A_239#1 : vector<16xf32>
      %add3A_249 = arith.addf %scan3A_239#2, %scan3A_239#3 : vector<16xf32>
      %add3A_250 = arith.addf %add3A_248, %add3A_249 : vector<16xf32>
      %add3A_251 = arith.addf %add3A_250, %get3A_43 : vector<16xf32>
      %swap3A_252 = arith.index_cast %add3A_152 : i32 to index
      %swap3A_253 = arith.constant 0 : index
      %swap3A_254 = tpu.vector_load %arg8[%swap3A_252, %swap3A_253] {strides = array<i32>} : memref<128x16xf32, #tpu.memory_space<vmem>>, vector<1x16xf32>,
      %swap3A_255 = vector.shape_cast %swap3A_254 : vector<1x16xf32> to vector<16xf32>
      %swap3A_256 = vector.shape_cast %add3A_251 : vector<16xf32> to vector<1x16xf32>
      tpu.vector_store %arg8[%swap3A_252, %swap3A_253], %swap3A_256 {strides = array<i32>} : memref<128x16xf32, #tpu.memory_space<vmem>>, vector<1x16xf32>,
      %scan3A_257 = arith.constant 0 : i32
      scf.yield %scan3A_257 : i32
    }
    %scan3A_50 = arith.constant 64 : i32
    "tpu.region"() ({
      %run_scoped3A = tpu.sem_alloc : memref<!tpu.dma_semaphore, #tpu.memory_space<semaphore_mem>>
      %dma_start3A_51 = arith.constant 0 : i32
      %dma_start3A_52 = tpu.memref_slice %arg5[%mul3A_2, %dma_start3A_51] : memref<4096x16xf32, #tpu.memory_space<hbm>> -> memref<128x16xf32, #tpu.memory_space<hbm>>
      %dma_start3A_53 = arith.constant 0 : i32
      %dma_start3A_54 = tpu.memref_slice %arg5[%mul3A_2, %dma_start3A_53] : memref<4096x16xf32, #tpu.memory_space<hbm>> -> memref<128x16xf32, #tpu.memory_space<hbm>>
      tpu.enqueue_dma source(%arg8 : memref<128x16xf32, #tpu.memory_space<vmem>>) target(%dma_start3A_54 : memref<128x16xf32, #tpu.memory_space<hbm>>) target_semaphore(%run_scoped3A : memref<!tpu.dma_semaphore, #tpu.memory_space<semaphore_mem>>)
      %dma_wait3A = arith.constant 0 : i32
      %dma_wait3A_55 = tpu.memref_slice %arg5[%mul3A_2, %dma_wait3A] : memref<4096x16xf32, #tpu.memory_space<hbm>> -> memref<128x16xf32, #tpu.memory_space<hbm>>
      %dma_wait3A_56 = arith.constant 0 : i32
      %dma_wait3A_57 = tpu.memref_slice %arg5[%mul3A_2, %dma_wait3A_56] : memref<4096x16xf32, #tpu.memory_space<hbm>> -> memref<128x16xf32, #tpu.memory_space<hbm>>
      tpu.wait_dma2 semaphore(%run_scoped3A : memref<!tpu.dma_semaphore, #tpu.memory_space<semaphore_mem>>) src(%arg8 : memref<128x16xf32, #tpu.memory_space<vmem>>) dst(%dma_wait3A_57 : memref<128x16xf32, #tpu.memory_space<hbm>>)
      tpu.yield
    }) : () -> ()
    return
  }
}

module attributes {stable_mosaic.version = 14 : i64} {
  func.func @_proj_body(%arg0: i32, %arg1: memref<32x4096xf32, #tpu.memory_space<vmem>>, %arg2: memref<16x32xf32, #tpu.memory_space<vmem>>, %arg3: memref<4096x128xf32, #tpu.memory_space<vmem>>) attributes {dimension_semantics = [#tpu.dimension_semantics<arbitrary>], iteration_bounds = array<i64: 245>, scalar_prefetch = 0 : i64, scratch_operands = 0 : i64, tpu.core_type = #tpu.core_type<tc>, window_params = [{transform_indices = @transform_0, window_bounds = array<i64: 32, 4096>}, {pipeline_mode = #tpu.pipeline_mode<synchronous>, transform_indices = @transform_1, window_bounds = array<i64: 16, 32>}, {transform_indices = @transform_2, window_bounds = array<i64: 4096, 128>}]} {
    %get3A = arith.constant 0 : index
    %get3A_0 = arith.constant 0 : index
    %get3A_1 = vector.load %arg1[%get3A, %get3A_0] : memref<32x4096xf32, #tpu.memory_space<vmem>>, vector<32x4096xf32>
    %get3A_2 = arith.constant 0 : index
    %get3A_3 = arith.constant 0 : index
    %get3A_4 = vector.load %arg2[%get3A_2, %get3A_3] : memref<16x32xf32, #tpu.memory_space<vmem>>, vector<16x32xf32>
    %dot_general3A = arith.constant dense<0.000000e+00> : vector<4096x16xf32>
    %dot_general3A_5 = tpu.matmul %get3A_1, %get3A_4, %dot_general3A {dimension_numbers = #tpu.dot_dimension_numbers<[0], [1], [1], [0], [0, 1, 1, 0], [], []>, transpose_lhs_hint = false} : vector<32x4096xf32>, vector<16x32xf32>, vector<4096x16xf32> -> vector<4096x16xf32>
    %swap3A = arith.constant 0 : index
    %swap3A_6 = arith.constant 0 : index
    %swap3A_7 = vector.load %arg3[%swap3A, %swap3A_6] : memref<4096x128xf32, #tpu.memory_space<vmem>>, vector<4096x16xf32>
    tpu.vector_store %arg3[%swap3A, %swap3A_6], %dot_general3A_5 {strides = array<i32>} : memref<4096x128xf32, #tpu.memory_space<vmem>>, vector<4096x16xf32>,
    return
  }
  func.func @transform_0(%arg0: i32) -> (i32, i32) {
    %c0_i32 = arith.constant 0 : i32
    %c0_i32_0 = arith.constant 0 : i32
    return %c0_i32, %arg0 : i32, i32
  }
  func.func @transform_1(%arg0: i32) -> (i32, i32) {
    %c0_i32 = arith.constant 0 : i32
    %c0_i32_0 = arith.constant 0 : i32
    %c0_i32_1 = arith.constant 0 : i32
    return %c0_i32, %c0_i32_0 : i32, i32
  }
  func.func @transform_2(%arg0: i32) -> (i32, i32) {
    %c0_i32 = arith.constant 0 : i32
    %c0_i32_0 = arith.constant 0 : i32
    return %arg0, %c0_i32 : i32, i32
  }
}

</mosaic_0001>

<sc_bundles>
// kernel: kernel.4.cloned.1.call-start
scs
__scs_entry_jumppad:
0x0: {  	(pc) =	sbr.rel $0x88, $3  }
0x1: {  	(tag) =	ssettag $0x0;
	lr =	simm.s32 $0x1  }
0x2: {  	[smem:$0x3F9D] =	sst lr;
	_ =	strace $0xD0000000  }
0x3: {  	_ = 	snop  }
0x4: {  	_ = 	snop  }
0x5: {  	_ = 	snop  }
0x6: {  	_ = 	snop  }
0x7: {  	_ = 	snop  }
__scs_overlays_trampoline_lowered:
0x8: {  	[smem:$0x3FAC] =	sst s0  }
0x9: {  	[smem:$0x3FAD] =	sst s1  }
0xa: {  	[smem:$0x3FAE] =	sst s2  }
0xb: {  	[smem:$0x3FAF] =	sst s3  }
0xc: {  	[smem:$0x3FB0] =	sst s4  }
0xd: {  	[smem:$0x3FB1] =	sst s5  }
0xe: {  	[smem:$0x3FB2] =	sst s6  }
0xf: {  	[smem:$0x3FB3] =	sst s7  }
0x10: {  	[smem:$0x3FB4] =	sst s8  }
0x11: {  	[smem:$0x3FB5] =	sst s9;
	s0 =	simm.s32 @!p0 $0x0  }
0x12: {  	s1 =	sld [smem:$0x3F9B];
	s0 =	simm.s32 @p0 $0x1  }
0x13: {  	[smem:$0x3FB6] =	sst s0;
	s0 =	simm.s32 @!p1 $0x0  }
0x14: {  	s2 =	sld [smem:$0x3F9A];
	s0 =	simm.s32 @p1 $0x1  }
0x15: {  	[smem:$0x3FB7] =	sst s0;
	s0 =	simm.s32 @!p2 $0x0  }
0x16: {  	s3 =	sld [smem:$0x3FDB];
	s0 =	simm.s32 @p2 $0x1  }
0x17: {  	s4 =	simm.s32 $0x1BF5;
	[smem:$0x3FB9] =	sst s0  }
0x18: {  	s0 =	sld [smem:$0x3F9C];
	_ =	swait.ge [sflag:s4], $0x0  }
0x19: {  	s7 =	sld [smem:$0x3F9D]  }
0x1a: {  	s8 =	sadd.s32 $0xFFFFE003, lr  }
0x1b: {  	s9 =	sadd.s32 $0xFFFFFEF7, lr;
	s5 =	simm.s32 $0xFFFFFFFF;
	p2 =	slt.u32 s8, $0xFFFFF086  }
0x1c: {  	p1 =	slt.u32 s9, $0xF7A;
	s5 =	simm.s32 @!p2 $0x0  }
0x1d: {  	s5 =	simm.s32 @p1 $0x1;
	p0 =	seq.s32 s7, s2  }
0x1e: {  	s7 =	smul.u32 @!p0 $0xF7A, s2;
	p2 =	seq.s32 @!p0 s5, $0x0  }
0x1f: {  	s9 =	smul.u32 $0xF7A, s1;
	s8 =	simm.s32 @!p0 $0x1BF5;
	p2 =	por !p2, p0  }
0x20: {  	[sflag:s8] =	ssyncset.s32 @!p0 $0xFFFFF086;
	s6 =	sadd.s32 @!p0 s3, s7;
	s7 =	simm.s32 @!p0 $0x108  }
0x21: {  	s3 =	sadd.s32 s3, s9;
	s6 =	sadd.s32 @!p0 $0x88, s6;
	s7 =	simm.s32 @p2 $0x1082  }
0x22: {  	[simem:s7], [sflag:s8] =	dma.local @!p0 [hbm:s6], $0xF7A  }
0x23: {  	s9 =	sor.u32 $0xD0000000, s2;
	s6 =	simm.s32 $0x108;
	_ =	swait.ge @!p0 [sflag:s8], $0x0  }
0x24: {  	s3 =	sadd.s32 $0x88, s3;
	s6 =	simm.s32 @!p1 $0x1082;
	[sflag:s4] =	ssyncset.s32 $0xFFFFF086  }
0x25: {  	[simem:s6], [sflag:s4] =	dma.local [hbm:s3], $0xF7A  }
0x26: {  	[smem:$0x3F9D] =	sst s1;
	(tag) =	ssettag s2;
	_ =	strace s9  }
0x27: {  	s1 =	sld [smem:$0x3FAD]  }
0x28: {  	s2 =	sld [smem:$0x3FAE]  }
0x29: {  	s4 =	sld [smem:$0x3FB0]  }
0x2a: {  	p0 =	seq.s32 s5, $0x0;
	s5 =	sld [smem:$0x3FB1]  }
0x2b: {  	s6 =	sld [smem:$0x3FB2]  }
0x2c: {  	s7 =	sld [smem:$0x3FB3]  }
0x2d: {  	s3 =	simm.s32 $0x108;
	s8 =	sld [smem:$0x3FB4]  }
0x2e: {  	s3 =	simm.s32 @!p0 $0x1082;
	s9 =	sld [smem:$0x3FB5]  }
0x2f: {  	lr =	sadd.s32 s0, s3;
	s0 =	sld [smem:$0x3FAC]  }
0x30: {  	s3 =	sld [smem:$0x3FAF]  }
0x31: {  	[smem:$0x3FB8] =	sst s10  }
0x32: {  	s10 =	sld [smem:$0x3FB6];
	_ =	sdelay $0x3  }
0x33: {  	p0 =	seq.s32 s10, $0x1;
	s10 =	sld [smem:$0x3FB8];
	_ =	sdelay $0x3  }
0x34: {  	[smem:$0x3FB8] =	sst s10  }
0x35: {  	s10 =	sld [smem:$0x3FB7];
	_ =	sdelay $0x3  }
0x36: {  	p1 =	seq.s32 s10, $0x1;
	s10 =	sld [smem:$0x3FB8];
	_ =	sdelay $0x3  }
0x37: {  	[smem:$0x3FB8] =	sst s10  }
0x38: {  	s10 =	sld [smem:$0x3FB9]  }
0x39: {  	_ = 	snop;
	(pc) =	sbr.ind lr, $3  }
0x3a: {  	_ = 	snop  }
0x3b: {  	_ = 	snop  }
0x3c: {  	p2 =	seq.s32 s10, $0x1;
	s10 =	sld [smem:$0x3FB8]  }
0x3d: {  	_ =	shalt  }
0x3e: {  	_ =	shalt  }
0x3f: {  	_ =	shalt  }
0x40: {  	_ =	shalt  }
0x41: {  	_ =	shalt  }
0x42: {  	_ =	shalt  }
0x43: {  	_ =	shalt  }
0x44: {  	_ =	shalt  }
0x45: {  	_ =	shalt  }
0x46: {  	_ =	shalt  }
0x47: {  	_ =	shalt  }
0x48: {  	_ =	shalt  }
0x49: {  	_ =	shalt  }
0x4a: {  	_ =	shalt  }
0x4b: {  	_ =	shalt  }
0x4c: {  	_ =	shalt  }
0x4d: {  	_ =	shalt  }
0x4e: {  	_ =	shalt  }
0x4f: {  	_ =	shalt  }
0x50: {  	_ =	shalt  }
0x51: {  	_ =	shalt  }
0x52: {  	_ =	shalt  }
0x53: {  	_ =	shalt  }
0x54: {  	_ =	shalt  }
0x55: {  	_ =	shalt  }
0x56: {  	_ =	shalt  }
0x57: {  	_ =	shalt  }
0x58: {  	_ =	shalt  }
0x59: {  	_ =	shalt  }
0x5a: {  	_ =	shalt  }
0x5b: {  	_ =	shalt  }
0x5c: {  	_ =	shalt  }
0x5d: {  	_ =	shalt  }
0x5e: {  	_ =	shalt  }
0x5f: {  	_ =	shalt  }
0x60: {  	_ =	shalt  }
0x61: {  	_ =	shalt  }
0x62: {  	_ =	shalt  }
0x63: {  	_ =	shalt  }
0x64: {  	_ =	shalt  }
0x65: {  	_ =	shalt  }
0x66: {  	_ =	shalt  }
0x67: {  	_ =	shalt  }
0x68: {  	_ =	shalt  }
0x69: {  	_ =	shalt  }
0x6a: {  	_ =	shalt  }
0x6b: {  	_ =	shalt  }
0x6c: {  	_ =	shalt  }
0x6d: {  	_ =	shalt  }
0x6e: {  	_ =	shalt  }
0x6f: {  	_ =	shalt  }
0x70: {  	_ =	shalt  }
0x71: {  	_ =	shalt  }
0x72: {  	_ =	shalt  }
0x73: {  	_ =	shalt  }
0x74: {  	_ =	shalt  }
0x75: {  	_ =	shalt  }
0x76: {  	_ =	shalt  }
0x77: {  	_ =	shalt  }
0x78: {  	_ =	shalt  }
0x79: {  	_ =	shalt  }
0x7a: {  	_ =	shalt  }
0x7b: {  	_ =	shalt  }
0x7c: {  	_ =	shalt  }
0x7d: {  	_ =	shalt  }
0x7e: {  	_ =	shalt  }
0x7f: {  	_ =	shalt  }
0x80: {  	_ =	shalt  }
0x81: {  	_ =	shalt  }
0x82: {  	_ =	shalt  }
0x83: {  	_ =	shalt  }
0x84: {  	_ =	shalt  }
0x85: {  	_ =	shalt  }
0x86: {  	_ =	shalt  }
0x87: {  	_ =	shalt  }
.Lfunc_end0:
.L_simem_size_0:
called_computation_lowered:
.L_overlay_start_0:
0x88: {  	s2 =	sld [smem:$0x3FD9]  }
0x89: {  	s3 =	sld [smem:$0x3FFE];
	_ =	sdelay $0x1  }
0x8a: {  	s1 =	srdreg.scid  }
0x8b: {  	s0 =	sand.u32 $0x1, s1  }
0x8c: {  	s17 =	sshll.u32 s0, $0xA;
	s2 =	sadd.s32 s3, s2  }
0x8d: {  	s2 =	sadd.s32 s2, s17  }
0x8e: {  	[smem:$0x3FC4] =	sst s2  }
0x8f: {  	_ = 	snop  }
0x90: {  	s2 =	sld [smem:$0x3FD0];
	(tm) =	ssettm $0x1  }
0x91: {  	s18 =	sld [smem:$0x3FFB];
	_ =	sdelay $0x3  }
0x92: {  	_ =	strace s18  }
0x93: {  	s3 =	sld [smem:$0x3FFC];
	_ =	sdelay $0x3  }
0x94: {  	_ =	strace s3  }
0x95: {  	s3 =	sld [smem:$0x3FFD];
	_ =	sdelay $0x3  }
0x96: {  	_ =	strace s3  }
0x97: {  	_ =	strace $0x8FFFFFFF  }
0x98: {  	s19 =	sld [smem:$0x3FDB];
	_ =	sdelay $0x1  }
0x99: {  	s4 =	simm.s32 $_scs_section_size  }
0x9a: {  	s5 =	simm.s32 $_size__tile_overlayer_lowered;
	s6 =	simm.s32 $_tile_overlayer_lowered  }
0x9b: {  	s22 =	simm.s32 $0x1BFF;
	s21 =	sshll.u32 s6, $0x1;
	s3 =	sadd.s32 s4, s19  }
0x9c: {  	s7 =	simm.s32 $0x0;
	s20 =	sshll.u32 s5, $0x1;
	s5 =	sadd.s32 s21, s3  }
0x9d: {  	[timem:s7], [sflag:s22] =	dma.local [hbm:s5], s20  }
0x9e: {  	_ =	swait.ge [sflag:s22], s20  }
0x9f: {  	s4 =	ssub.s32 $0x0, s20;
	[sflag:s22] =	ssyncset.done $0x0  }
0xa0: {  	[sflag:s22] =	ssyncadd.s32 s4;
	_ =	sdelay $0x1  }
0xa1: {  	s23 =	simm.s32 $0x1B8B  }
0xa2: {  	_ =	swait.ge [sflag:s23], $0x1  }
0xa3: {  	[sflag:s23] =	ssyncset.done $0x0  }
0xa4: {  	s25 =	simm.s32 $0x1B8E;
	s24 =	sld [smem:$0x3FFE];
	[sflag:s23] =	ssyncadd.s32 $0xFFFFFFFF  }
0xa5: {  	s26 =	simm.s32 $execute0_lowered;
	[smem:$0x3FD2] =	sst s25  }
0xa6: {  	s5 =	sshll.u32 s26, $0x1;
	_ =	strace $0x80000046;
	[dreg:$0x1] =	wrdreg $0xFFFFFFFF  }
0xa7: {  	s28 =	simm.s32 $_size_execute0_lowered;
	s3 =	sadd.s32 s3, s5;
	[dreg:$0x0] =	wrdreg $0x0  }
0xa8: {  	s5 =	sshll.u32 s28, $0x1;
	[dreg:$0x2] =	wrdreg s3  }
0xa9: {  	[dreg:$0x3] =	wrdreg s5  }
0xaa: {  	[dreg:$0x4] =	wrdreg $0xC0  }
0xab: {  	_ =	task [dreg:s7], $0x5FFFF  }
0xac: {  	[dreg:$0x1] =	wrdreg $0xFFFFFFFF  }
0xad: {  	[dreg:$0x0] =	wrdreg $0x60  }
0xae: {  	[dreg:$0x2] =	wrdreg s24  }
0xaf: {  	[dreg:$0x3] =	wrdreg s2  }
0xb0: {  	[dreg:$0x4] =	wrdreg $0x9  }
0xb1: {  	_ =	task.clear_ibuf [dreg:s7], $0x5FFFF;
	_ =	strace $0x90000046  }
0xb2: {  	s29 =	simm.s32 $0x9;
	_ =	strace $0x80000048  }
0xb3: {  	_ =	swait.ge [sflag:s29], $0x1  }
0xb4: {  	[sflag:s29] =	ssyncadd.s32 $0xFFFFFFFF  }
0xb5: {  	_ =	strace $0x90000048  }
0xb6: {  	_ =	sfence  }
0xb7: {  	s30 =	sld [smem:$0x0];
	_ =	sdelay $0x2  }
0xb8: {  	s31 =	sshll.u32 s1, $0xD;
	s1 =	sshrl.u32 s1, $0x2  }
0xb9: {  	s3 =	sand.u32 $0x4000, s31;
	s1 =	sadd.s32 s1, s30  }
0xba: {  	s0 =	sor.u32 s3, s0;
	s1 =	sshll.u32 s1, $0x11  }
0xbb: {  	s0 =	sor.u32 s1, s0  }
0xbc: {  	s0 =	sadd.s32 $0x8F2B, s0  }
0xbd: {  	[sflag:s0] =	ssyncadd.remote.s32 $0x1  }
0xbe: {  	_ =	sfence.sel $0xFFFF  }
0xbf: {  	[dreg:$0x0] =	wrdreg $0xFFFFFFFF;
	(pc) =	sbr.abs _section_cstart, $3  }
0xc0: {  	[dreg:$0x1] =	wrdreg $0xFFFFFFFF  }
0xc1: {  	_ =	task.clear_ibuf [dreg:s7], $0x2FFFF;
	_ =	strace $0x9FFFFFFF  }
0xc2: {  	(tm) =	ssettm $0x7FFFFFFF  }
0xc3: {  	_ =	shalt  }
tec
execute0_lowered:
.L_overlay_start_1:
0x0: {  	(tag) =	ssettag $0x1  }
0x1: {  	s1 =	srdreg.scid;
	s4 =	rddreg [dreg:$0x0]  }
0x2: {  	s0 =	stileid.u32;
	s6 =	rddreg [dreg:$0x1]  }
0x3: {  	s2 =	simm.s32 $0x0;
	s10 =	simm.s32 $0x68;
	s11 =	simm.s32 $0x6800  }
0x4: {  	s12 =	simm.s32 $0xD810;
	s13 =	simm.s32 $0x60;
	s14 =	simm.s32 $0x6868  }
0x5: {  	s15 =	simm.s32 $0x10C10;
	s16 =	simm.s32 $0x68D0;
	s17 =	simm.s32 $0x14010  }
0x6: {  	s18 =	simm.s32 $0x6938;
	s19 =	simm.s32 $0x17410;
	s20 =	simm.s32 $0x1  }
0x7: {  	s21 =	simm.s32 $0x2;
	s22 =	simm.s32 $0x3;
	s23 =	simm.s32 $0x4  }
0x8: {  	s24 =	simm.s32 $0xD000;
	s25 =	simm.s32 $0x0;
	s3 =	sand.u32 $0x1, s1  }
0x9: {  	s5 =	sshll.u32 s0, $0x8;
	[smem:$0x7FF] =	sst s2;
	s7 =	sshll.u32 s3, $0x7  }
0xa: {  	_ =	strace $0x80000047;
	s8 =	ssub.s32 $0x2, s3;
	s5 =	sor.u32 s7, s5  }
0xb: {  	s3 =	sadd.s32 $0x19600, s4;
	s9 =	sshrl.u32 s8, $0x1;
	s7 =	smul.u32 $0x19, s5  }
0xc: {  	s8 =	ssub.s32 s8, s9;
	s31 =	sshll.u32 s5, $0x1;
	s9 =	simm.s32 $0x5  }
0xd: {  	s6 =	sadd.s32 s6, s31;
	s7 =	sadd.s32 s7, s4;
	s4 =	sadd.s32 $0x400, s4  }
0xe: {  	s5 =	sadd.s32 $0x600, s7;
	s7 =	smax.u32 s8, $0x1;
	s8 =	simm.s32 $0xD800  }
.LBB2_1:
0xf: {  	[tilespmem:s8], [sflag:$0x5] =	stream.linear.gather [hbm4b:s4+s2], $0x10, $0x38;
	[tilespmem:$0x1A810] =	vst v63  }
0x10: {  	_ =	swait.ge [sflag:s9], $0x10  }
0x11: {  	s26 =	simm.s32 $0x19;
	s30 =	sadd.s32 $0x0, s5;
	[sflag:s9] =	ssyncset.done $0x0  }
0x12: {  	s28 =	simm.s32 $0xD0;
	s29 =	simm.s32 $0x0;
	[sflag:s9] =	ssyncadd.s32 $0xFFFFFFF0  }
.LBB2_2:
0x13: {  	[tilespmem:s29], [sflag:$0x5] =	stream.linear.gather [hbm4b:s30+s2], $0xC8, $0x38;
	[tilespmem:$0x1A810] =	vst v63  }
0x14: {  	s30 =	smov.u32 s26;
	s29 =	smov.u32 s28;
	p0 =	sne.s32 s26, $0xC67  }
.Ltmp0:
0x15: {  	s26 =	sadd.s32 $0x19, s26;
	(pc) =	sbr.rel @p0 .LBB2_2-.Ltmp0, $2  }
0x16: {  	_ =	sdelay $0x2  }
0x17: {  	s28 =	sadd.s32 $0xD0, s28;
	s30 =	sadd.s32 s30, s5  }
0x18: {  	[tilespmem:s29], [sflag:$0x5] =	stream.linear.gather [hbm4b:s30+s2], $0xC8, $0x38;
	[tilespmem:$0x1A810] =	vst v63  }
0x19: {  	_ =	swait.ge [sflag:s9], $0x6400  }
0x1a: {  	[sflag:s9] =	ssyncset.done $0x0  }
0x1b: {  	s26 =	simm.s32 $0x0;
	[sflag:s9] =	ssyncadd.s32 $0xFFFF9C00  }
0x1c: {  	v0 =	vld [tilespmem:s26+$0xC0]  }
0x1d: {  	v1 =	vld [tilespmem:s26+$0x0]  }
0x1e: {  	v2 =	vld [tilespmem:s26+$0x10]  }
0x1f: {  	v3 =	vld [tilespmem:s26+$0x20]  }
0x20: {  	v4 =	vld [tilespmem:s26+$0x30]  }
0x21: {  	v5 =	vld [tilespmem:s26+$0x40];
	v0 =	vtrunc.f32 v0  }
0x22: {  	v6 =	vld [tilespmem:s26+$0x50];
	v1 =	vtrunc.f32 v1;
	v7 =	vcvt.f32.s32 v0  }
0x23: {  	v8 =	vld [tilespmem:s26+$0x60];
	v2 =	vtrunc.f32 v2;
	v1 =	vcvt.f32.s32 v1  }
0x24: {  	v3 =	vtrunc.f32 v3;
	v0 =	vld [tilespmem:s26+$0x70];
	v2 =	vcvt.f32.s32 v2;
	[tilespmem:s26+$0x68C0] =	vst v7  }
0x25: {  	v4 =	vtrunc.f32 v4;
	v3 =	vcvt.f32.s32 v3;
	[tilespmem:s26+$0x6800] =	vst v1;
	v1 =	vld [tilespmem:s26+$0x80]  }
0x26: {  	v5 =	vtrunc.f32 v5;
	v4 =	vcvt.f32.s32 v4;
	[tilespmem:s26+$0x6810] =	vst v2;
	v2 =	vld [tilespmem:s26+$0x90]  }
0x27: {  	v6 =	vtrunc.f32 v6;
	v5 =	vcvt.f32.s32 v5;
	[tilespmem:s26+$0x6820] =	vst v3;
	v3 =	vld [tilespmem:s26+$0xA0]  }
0x28: {  	s28 =	simm.s32 $0xD0;
	s29 =	simm.s32 $0x680;
	v6 =	vcvt.f32.s32 v6;
	[tilespmem:s26+$0x6830] =	vst v4;
	v7 =	vtrunc.f32 v8;
	v4 =	vld [tilespmem:s26+$0xB0]  }
.LBB2_4:
0x29: {  	p0 =	sne.s32 s29, $0x19CC0;
	v8 =	vld [tilespmem:s28+$0xC0];
	[tilespmem:s26+$0x6840] =	vst v5;
	v5 =	vcvt.f32.s32 v7;
	v0 =	vtrunc.f32 v0  }
0x2a: {  	v7 =	vld [tilespmem:s28+$0x0];
	[tilespmem:s26+$0x6850] =	vst v6;
	v0 =	vcvt.f32.s32 v0;
	v1 =	vtrunc.f32 v1  }
0x2b: {  	v6 =	vld [tilespmem:s28+$0x10];
	[tilespmem:s26+$0x6860] =	vst v5;
	v1 =	vcvt.f32.s32 v1;
	v2 =	vtrunc.f32 v2  }
0x2c: {  	v5 =	vld [tilespmem:s28+$0x20];
	[tilespmem:s26+$0x6870] =	vst v0;
	v0 =	vcvt.f32.s32 v2;
	v2 =	vtrunc.f32 v3  }
0x2d: {  	v3 =	vld [tilespmem:s28+$0x30];
	[tilespmem:s26+$0x6880] =	vst v1;
	v1 =	vcvt.f32.s32 v2;
	v2 =	vtrunc.f32 v4  }
0x2e: {  	v4 =	vld [tilespmem:s28+$0x40];
	v8 =	vtrunc.f32 v8;
	[tilespmem:s26+$0x6890] =	vst v0;
	v0 =	vcvt.f32.s32 v2  }
0x2f: {  	v2 =	vtrunc.f32 v7;
	v7 =	vld [tilespmem:s28+$0x50];
	v8 =	vcvt.f32.s32 v8;
	[tilespmem:s26+$0x68A0] =	vst v1  }
0x30: {  	v1 =	vcvt.f32.s32 v2;
	v2 =	vtrunc.f32 v6;
	v9 =	vld [tilespmem:s28+$0x60];
	[tilespmem:s26+$0x68B0] =	vst v0;
	s26 =	smov.u32 s28  }
.Ltmp1:
0x31: {  	v2 =	vcvt.f32.s32 v2;
	v5 =	vtrunc.f32 v5;
	v0 =	vld [tilespmem:s26+$0x70];
	[tilespmem:s26+$0x68C0] =	vst v8;
	(pc) =	sbr.rel @p0 .LBB2_4-.Ltmp1, $4  }
0x32: {  	[tilespmem:s26+$0x6800] =	vst v1;
	v5 =	vcvt.f32.s32 v5;
	v3 =	vtrunc.f32 v3;
	v1 =	vld [tilespmem:s26+$0x80]  }
0x33: {  	[tilespmem:s26+$0x6810] =	vst v2;
	v6 =	vcvt.f32.s32 v3;
	v3 =	vtrunc.f32 v4;
	v2 =	vld [tilespmem:s26+$0x90]  }
0x34: {  	[tilespmem:s26+$0x6820] =	vst v5;
	v5 =	vcvt.f32.s32 v3;
	v4 =	vtrunc.f32 v7;
	v3 =	vld [tilespmem:s26+$0xA0]  }
0x35: {  	s28 =	sshra.s32 s29, $0x2;
	s29 =	sadd.s32 $0x340, s29;
	[tilespmem:s26+$0x6830] =	vst v6;
	v6 =	vcvt.f32.s32 v4;
	v7 =	vtrunc.f32 v9;
	v4 =	vld [tilespmem:s26+$0xB0]  }
0x36: {  	v8 =	vld [tilespmem:s28+$0xC0];
	[tilespmem:s26+$0x6840] =	vst v5;
	v7 =	vcvt.f32.s32 v7;
	v0 =	vtrunc.f32 v0  }
0x37: {  	v5 =	vld [tilespmem:s28+$0x0];
	[tilespmem:s26+$0x6850] =	vst v6;
	v0 =	vcvt.f32.s32 v0;
	v1 =	vtrunc.f32 v1  }
0x38: {  	v6 =	vld [tilespmem:s28+$0x10];
	[tilespmem:s26+$0x6860] =	vst v7;
	v1 =	vcvt.f32.s32 v1  }
0x39: {  	v7 =	vld [tilespmem:s28+$0x20];
	[tilespmem:s26+$0x6870] =	vst v0;
	v0 =	vtrunc.f32 v2  }
0x3a: {  	v2 =	vld [tilespmem:s28+$0x30];
	v0 =	vcvt.f32.s32 v0;
	[tilespmem:s26+$0x6880] =	vst v1;
	v1 =	vtrunc.f32 v3  }
0x3b: {  	v1 =	vcvt.f32.s32 v1  }
0x3c: {  	v3 =	vld [tilespmem:s28+$0x40];
	[tilespmem:s26+$0x6890] =	vst v0;
	v0 =	vtrunc.f32 v4  }
0x3d: {  	v56 =	vld [tilespmem:s28+$0x50];
	v0 =	vcvt.f32.s32 v0;
	[tilespmem:s26+$0x68A0] =	vst v1;
	v1 =	vtrunc.f32 v8  }
0x3e: {  	v5 =	vtrunc.f32 v5;
	v1 =	vcvt.f32.s32 v1  }
0x3f: {  	v57 =	vld [tilespmem:s28+$0x60];
	[tilespmem:s26+$0x68B0] =	vst v0;
	v0 =	vcvt.f32.s32 v5  }
0x40: {  	v6 =	vtrunc.f32 v6;
	[tilespmem:s28+$0x68C0] =	vst v1  }
0x41: {  	v1 =	vcvt.f32.s32 v6;
	[tilespmem:s28+$0x6800] =	vst v0;
	v0 =	vtrunc.f32 v7  }
0x42: {  	v58 =	vld [tilespmem:s28+$0x70];
	v0 =	vcvt.f32.s32 v0  }
0x43: {  	v59 =	vld [tilespmem:s28+$0x80];
	[tilespmem:s28+$0x6810] =	vst v1;
	v1 =	vtrunc.f32 v2  }
0x44: {  	v2 =	vld [tilespmem:s28+$0x90];
	v1 =	vcvt.f32.s32 v1;
	[tilespmem:s28+$0x6820] =	vst v0;
	v0 =	vtrunc.f32 v3  }
0x45: {  	v4 =	vtrunc.f32 v56;
	v3 =	vld [tilespmem:s28+$0xA0];
	v0 =	vcvt.f32.s32 v0  }
0x46: {  	v61 =	vld [tilespmem:s28+$0xB0];
	v60 =	vtrunc.f32 v57;
	[tilespmem:s28+$0x6830] =	vst v1;
	v1 =	vcvt.f32.s32 v4  }
0x47: {  	v62 =	vtrunc.f32 v58;
	[tilespmem:s28+$0x6840] =	vst v0;
	v0 =	vcvt.f32.s32 v60  }
0x48: {  	v63 =	vtrunc.f32 v59;
	[tilespmem:s28+$0x6850] =	vst v1;
	v1 =	vcvt.f32.s32 v62  }
0x49: {  	v2 =	vtrunc.f32 v2;
	[tilespmem:s28+$0x6860] =	vst v0;
	v0 =	vcvt.f32.s32 v63  }
0x4a: {  	[tilespmem:s28+$0x6870] =	vst v1;
	v1 =	vcvt.f32.s32 v2;
	v2 =	vtrunc.f32 v3  }
0x4b: {  	[tilespmem:s28+$0x6880] =	vst v0;
	v0 =	vcvt.f32.s32 v2;
	v2 =	vtrunc.f32 v61  }
0x4c: {  	[tilespmem:s28+$0x6890] =	vst v1;
	v1 =	vcvt.f32.s32 v2  }
0x4d: {  	[tilespmem:s28+$0x68A0] =	vst v0  }
0x4e: {  	[tilespmem:s28+$0x68B0] =	vst v1  }
0x4f: {  	[tilespmem:s12], [sflag:$0x1] =	stream.indirect.gather [hbm4b:s3+s10], $0x80, s11, s10, $0xb8;
	[tilespmem:$0x1A810] =	vst v63  }
0x50: {  	_ = 	snop  }
0x51: {  	[tilespmem:s15], [sflag:$0x2] =	stream.indirect.gather [hbm4b:s3+s13], $0x80, s14, s13, $0xb8;
	[tilespmem:$0x1A810] =	vst v63  }
0x52: {  	_ = 	snop  }
0x53: {  	[tilespmem:s17], [sflag:$0x3] =	stream.indirect.gather [hbm4b:s3+s10], $0x80, s16, s10, $0xb8;
	[tilespmem:$0x1A810] =	vst v63  }
0x54: {  	_ = 	snop  }
0x55: {  	[tilespmem:s19], [sflag:$0x4] =	stream.indirect.gather [hbm4b:s3+s13], $0x80, s18, s13, $0xb8;
	[tilespmem:$0x1A810] =	vst v63  }
0x56: {  	s26 =	simm.s32 $0x0;
	v0 =	vld [tilespmem:$0xD800]  }
.LBB2_6:
0x57: {  	_ =	swait.ge [sflag:s20], $0x3400  }
0x58: {  	[sflag:s20] =	ssyncset.done $0x0  }
0x59: {  	s30 =	simm.s32 $0x0;
	[sflag:s20] =	ssyncadd.s32 $0xFFFFCC00  }
0x5a: {  	v2 =	vld [tilespmem:s30+$0xDA10]  }
0x5b: {  	v1 =	vld [tilespmem:s30+$0xDA90]  }
0x5c: {  	v3 =	vld [tilespmem:s30+$0xD810]  }
0x5d: {  	v6 =	vimm.f32 $0.0e+00;
	v4 =	vld [tilespmem:s30+$0xD890]  }
0x5e: {  	s28 =	simm.s32 $0x1000;
	v7 =	vimm.f32 $0.0e+00;
	v8 =	vimm.f32 $0.0e+00;
	v9 =	vimm.f32 $0.0e+00;
	v5 =	vld [tilespmem:s30+$0xD910]  }
.LBB2_7:
0x5f: {  	p0 =	sne.s32 s28, $0xC000;
	v10 =	vld [tilespmem:s30+$0xD990];
	v11 =	vmov v2  }
0x60: {  	v12 =	vld [tilespmem:s30+$0xDB10];
	v13 =	vmov v1  }
0x61: {  	v14 =	vld [tilespmem:s30+$0xDB90];
	s30 =	sshra.s32 s28, $0x2  }
.Ltmp2:
0x62: {  	v2 =	vld [tilespmem:s30+$0xDA10];
	(pc) =	sbr.rel @p0 .LBB2_7-.Ltmp2, $4  }
0x63: {  	v6 =	vadd.f32 v3, v6;
	v7 =	vadd.f32 v4, v7;
	v1 =	vld [tilespmem:s30+$0xDA90]  }
0x64: {  	v8 =	vadd.f32 v5, v8;
	v3 =	vld [tilespmem:s30+$0xD810];
	v9 =	vadd.f32 v10, v9  }
0x65: {  	v6 =	vadd.f32 v11, v6;
	v7 =	vadd.f32 v13, v7;
	v4 =	vld [tilespmem:s30+$0xD890]  }
0x66: {  	s28 =	sadd.s32 $0x1000, s28;
	v8 =	vadd.f32 v12, v8;
	v5 =	vld [tilespmem:s30+$0xD910];
	v9 =	vadd.f32 v14, v9  }
0x67: {  	s28 =	sshll.u32 s26, $0x2;
	p0 =	seq.s32 s26, $0x3F  }
0x68: {  	s29 =	sshrl.u32 @!p0 s28, $0x1  }
0x69: {  	s29 =	smul.u32 @!p0 $0x340, s29;
	_ =	sdelay $0x1  }
0x6a: {  	v11 =	vld [tilespmem:s30+$0xD990];
	s29 =	sadd.s32 @!p0 $0x680, s29  }
0x6b: {  	v12 =	vld [tilespmem:s30+$0xDB10];
	s29 =	sshra.s32 @!p0 s29, $0x2  }
0x6c: {  	v13 =	vld [tilespmem:s30+$0xDB90];
	s31 =	simm.s32 @!p0 $0x68;
	s1 =	simm.s32 @!p0 $0xD810;
	s30 =	sadd.s32 @!p0 $0x6800, s29  }
0x6d: {  	[tilespmem:s1], [sflag:$0x1] =	stream.indirect.gather @!p0 [hbm4b:s3+s31], $0x80, s30, s31, $0xb8;
	[tilespmem:$0x1A810] =	vst v63  }
0x6e: {  	_ =	swait.ge [sflag:s21], $0x3000  }
0x6f: {  	[sflag:s21] =	ssyncset.done $0x0  }
0x70: {  	s30 =	simm.s32 $0x0;
	[sflag:s21] =	ssyncadd.s32 $0xFFFFD000  }
0x71: {  	v10 =	vld [tilespmem:s30+$0x10E10]  }
0x72: {  	v6 =	vadd.f32 v3, v6;
	v7 =	vadd.f32 v4, v7;
	v3 =	vld [tilespmem:s30+$0x10E90]  }
0x73: {  	v8 =	vadd.f32 v5, v8;
	v9 =	vadd.f32 v11, v9;
	v4 =	vld [tilespmem:s30+$0x10C10]  }
0x74: {  	v2 =	vadd.f32 v2, v6;
	v5 =	vadd.f32 v1, v7;
	v1 =	vld [tilespmem:s30+$0x10C90]  }
0x75: {  	v6 =	vadd.f32 v12, v8;
	v8 =	vadd.f32 v13, v9;
	s31 =	simm.s32 $0x1000;
	v7 =	vld [tilespmem:s30+$0x10D10]  }
.LBB2_9:
0x76: {  	p1 =	sne.s32 s31, $0xB000;
	v9 =	vld [tilespmem:s30+$0x10D90];
	v11 =	vmov v10  }
0x77: {  	v12 =	vld [tilespmem:s30+$0x10F10];
	v13 =	vmov v3  }
0x78: {  	v14 =	vld [tilespmem:s30+$0x10F90];
	s30 =	sshra.s32 s31, $0x2  }
.Ltmp3:
0x79: {  	v10 =	vld [tilespmem:s30+$0x10E10];
	(pc) =	sbr.rel @p1 .LBB2_9-.Ltmp3, $4  }
0x7a: {  	v2 =	vadd.f32 v4, v2;
	v5 =	vadd.f32 v1, v5;
	v3 =	vld [tilespmem:s30+$0x10E90]  }
0x7b: {  	v6 =	vadd.f32 v7, v6;
	v4 =	vld [tilespmem:s30+$0x10C10];
	v8 =	vadd.f32 v9, v8  }
0x7c: {  	v2 =	vadd.f32 v11, v2;
	v5 =	vadd.f32 v13, v5;
	v1 =	vld [tilespmem:s30+$0x10C90]  }
0x7d: {  	s31 =	sadd.s32 $0x1000, s31;
	v6 =	vadd.f32 v12, v6;
	v7 =	vld [tilespmem:s30+$0x10D10];
	v8 =	vadd.f32 v14, v8  }
0x7e: {  	v9 =	vld [tilespmem:s30+$0x10D90]  }
0x7f: {  	v11 =	vld [tilespmem:s30+$0x10F10]  }
0x80: {  	v12 =	vld [tilespmem:s30+$0x10F90];
	_ =	sdelay $0x1  }
0x81: {  	v2 =	vadd.f32 v4, v2;
	v1 =	vadd.f32 v1, v5  }
0x82: {  	v4 =	vadd.f32 v7, v6;
	v5 =	vadd.f32 v9, v8  }
0x83: {  	v2 =	vadd.f32 v10, v2;
	v1 =	vadd.f32 v3, v1  }
0x84: {  	v3 =	vadd.f32 v11, v4;
	v4 =	vadd.f32 v12, v5;
	_ =	sdelay $0x1  }
0x85: {  	v1 =	vadd.f32 v1, v2;
	v2 =	vadd.f32 v4, v3;
	_ =	sdelay $0x1  }
0x86: {  	s1 =	sadd.s32 @!p0 $0x6868, s29;
	s29 =	simm.s32 @!p0 $0x60;
	s30 =	simm.s32 @!p0 $0x10C10;
	v1 =	vadd.f32 v2, v1  }
0x87: {  	[tilespmem:s30], [sflag:$0x2] =	stream.indirect.gather @!p0 [hbm4b:s3+s29], $0x80, s1, s29, $0xb8;
	[tilespmem:$0x1A810] =	vst v63  }
0x88: {  	s1 =	sshll.u32 s26, $0x5;
	v1 =	vadd.f32 v1, v0  }
0x89: {  	s29 =	sand.u32 $0x3FFFFFE0, s1  }
0x8a: {  	[tilespmem:s29+$0xD000] =	vst v1  }
0x8b: {  	_ =	swait.ge [sflag:s22], $0x3400  }
0x8c: {  	[sflag:s22] =	ssyncset.done $0x0  }
0x8d: {  	s30 =	simm.s32 $0x0;
	[sflag:s22] =	ssyncadd.s32 $0xFFFFCC00  }
0x8e: {  	v2 =	vld [tilespmem:s30+$0x14210]  }
0x8f: {  	v1 =	vld [tilespmem:s30+$0x14290]  }
0x90: {  	v3 =	vld [tilespmem:s30+$0x14010]  }
0x91: {  	v6 =	vimm.f32 $0.0e+00;
	v4 =	vld [tilespmem:s30+$0x14090]  }
0x92: {  	s31 =	simm.s32 $0x1000;
	v10 =	vimm.f32 $0.0e+00;
	v8 =	vimm.f32 $0.0e+00;
	v9 =	vimm.f32 $0.0e+00;
	v5 =	vld [tilespmem:s30+$0x14110]  }
.LBB2_11:
0x93: {  	p1 =	sne.s32 s31, $0xC000;
	v7 =	vld [tilespmem:s30+$0x14190];
	v11 =	vmov v2  }
0x94: {  	v12 =	vld [tilespmem:s30+$0x14310];
	v13 =	vmov v1  }
0x95: {  	v14 =	vld [tilespmem:s30+$0x14390];
	s30 =	sshra.s32 s31, $0x2  }
.Ltmp4:
0x96: {  	v2 =	vld [tilespmem:s30+$0x14210];
	(pc) =	sbr.rel @p1 .LBB2_11-.Ltmp4, $4  }
0x97: {  	v6 =	vadd.f32 v3, v6;
	v8 =	vadd.f32 v4, v8;
	v1 =	vld [tilespmem:s30+$0x14290]  }
0x98: {  	v9 =	vadd.f32 v5, v9;
	v3 =	vld [tilespmem:s30+$0x14010];
	v7 =	vadd.f32 v7, v10  }
0x99: {  	v6 =	vadd.f32 v11, v6;
	v8 =	vadd.f32 v13, v8;
	v4 =	vld [tilespmem:s30+$0x14090]  }
0x9a: {  	s31 =	sadd.s32 $0x1000, s31;
	v9 =	vadd.f32 v12, v9;
	v5 =	vld [tilespmem:s30+$0x14110];
	v10 =	vadd.f32 v14, v7  }
0x9b: {  	s1 =	sadd.s32 @!p0 $0x6, s28  }
0x9c: {  	s1 =	sshrl.u32 @!p0 s1, $0x1  }
0x9d: {  	s1 =	smul.u32 @!p0 $0x340, s1  }
0x9e: {  	v11 =	vld [tilespmem:s30+$0x14190]  }
0x9f: {  	v12 =	vld [tilespmem:s30+$0x14310];
	s28 =	sshra.s32 @!p0 s1, $0x2  }
0xa0: {  	v13 =	vld [tilespmem:s30+$0x14390];
	s30 =	simm.s32 @!p0 $0x68;
	s31 =	simm.s32 @!p0 $0x14010;
	s1 =	sadd.s32 @!p0 $0x6800, s28  }
0xa1: {  	[tilespmem:s31], [sflag:$0x3] =	stream.indirect.gather @!p0 [hbm4b:s3+s30], $0x80, s1, s30, $0xb8;
	[tilespmem:$0x1A810] =	vst v63  }
0xa2: {  	_ =	swait.ge [sflag:s23], $0x3000  }
0xa3: {  	[sflag:s23] =	ssyncset.done $0x0  }
0xa4: {  	s30 =	simm.s32 $0x0;
	[sflag:s23] =	ssyncadd.s32 $0xFFFFD000  }
0xa5: {  	v7 =	vld [tilespmem:s30+$0x17610]  }
0xa6: {  	v6 =	vadd.f32 v3, v6;
	v8 =	vadd.f32 v4, v8;
	v3 =	vld [tilespmem:s30+$0x17690]  }
0xa7: {  	v9 =	vadd.f32 v5, v9;
	v10 =	vadd.f32 v11, v10;
	v4 =	vld [tilespmem:s30+$0x17410]  }
0xa8: {  	v2 =	vadd.f32 v2, v6;
	v5 =	vadd.f32 v1, v8;
	v1 =	vld [tilespmem:s30+$0x17490]  }
0xa9: {  	v6 =	vadd.f32 v12, v9;
	s31 =	simm.s32 $0x1000;
	v9 =	vadd.f32 v13, v10;
	v8 =	vld [tilespmem:s30+$0x17510]  }
.LBB2_13:
0xaa: {  	p1 =	sne.s32 s31, $0xB000;
	v10 =	vld [tilespmem:s30+$0x17590];
	v11 =	vmov v7  }
0xab: {  	v12 =	vld [tilespmem:s30+$0x17710];
	v13 =	vmov v3  }
0xac: {  	v14 =	vld [tilespmem:s30+$0x17790];
	s30 =	sshra.s32 s31, $0x2  }
.Ltmp5:
0xad: {  	v7 =	vld [tilespmem:s30+$0x17610];
	(pc) =	sbr.rel @p1 .LBB2_13-.Ltmp5, $4  }
0xae: {  	v2 =	vadd.f32 v4, v2;
	v5 =	vadd.f32 v1, v5;
	v3 =	vld [tilespmem:s30+$0x17690]  }
0xaf: {  	v6 =	vadd.f32 v8, v6;
	v4 =	vld [tilespmem:s30+$0x17410];
	v9 =	vadd.f32 v10, v9  }
0xb0: {  	v2 =	vadd.f32 v11, v2;
	v5 =	vadd.f32 v13, v5;
	v1 =	vld [tilespmem:s30+$0x17490]  }
0xb1: {  	s31 =	sadd.s32 $0x1000, s31;
	v6 =	vadd.f32 v12, v6;
	v8 =	vld [tilespmem:s30+$0x17510];
	v9 =	vadd.f32 v14, v9  }
0xb2: {  	v10 =	vld [tilespmem:s30+$0x17590]  }
0xb3: {  	v11 =	vld [tilespmem:s30+$0x17710]  }
0xb4: {  	v12 =	vld [tilespmem:s30+$0x17790];
	_ =	sdelay $0x1  }
0xb5: {  	v2 =	vadd.f32 v4, v2;
	v1 =	vadd.f32 v1, v5  }
0xb6: {  	v61 =	vadd.f32 v8, v6;
	v62 =	vadd.f32 v10, v9  }
0xb7: {  	v2 =	vadd.f32 v7, v2;
	v1 =	vadd.f32 v3, v1  }
0xb8: {  	s1 =	sadd.s32 @!p0 $0x6868, s28;
	v3 =	vadd.f32 v11, v61;
	v63 =	vadd.f32 v12, v62  }
0xb9: {  	s28 =	simm.s32 @!p0 $0x60;
	s30 =	simm.s32 @!p0 $0x17410;
	s26 =	sadd.s32 $0x1, s26  }
0xba: {  	[tilespmem:s30], [sflag:$0x4] =	stream.indirect.gather @!p0 [hbm4b:s3+s28], $0x80, s1, s28, $0xb8;
	v1 =	vadd.f32 v1, v2;
	v2 =	vadd.f32 v63, v3;
	[tilespmem:$0x1A810] =	vst v63  }
0xbb: {  	p0 =	sne.s32 s26, $0x40  }
.Ltmp6:
0xbc: {  	v1 =	vadd.f32 v2, v1;
	(pc) =	sbr.rel @p0 .LBB2_6-.Ltmp6, $3  }
0xbd: {  	_ = 	snop  }
0xbe: {  	v1 =	vadd.f32 v1, v0;
	_ =	sdelay $0x1  }
0xbf: {  	[tilespmem:s29+$0xD010] =	vst v1  }
0xc0: {  	s25 =	sadd.s32 $0x1, s25  }
0xc1: {  	p0 =	sne.s32 s25, s7  }
.Ltmp7:
0xc2: {  	_ = 	snop;
	(pc) =	sbr.rel @p0 .LBB2_1-.Ltmp7, $4  }
0xc3: {  	[hbm4b:s6+s2] =	stream.linear.scatter [tilespmem:s24], [sflag:$0x5], $0x800, $0x38;
	[tilespmem:$0x1A810] =	vst v63  }
0xc4: {  	_ =	swait.ge [sflag:s9], $0x800  }
0xc5: {  	[sflag:s9] =	ssyncset.done $0x0  }
0xc6: {  	[sflag:s9] =	ssyncadd.s32 $0xFFFFF800  }
0xc7: {  	_ =	sfence.sel $0x180000  }
0xc8: {  	[bflag:$0x0] =	sbarrier.arrive $0xFFFF  }
0xc9: {  	_ =	strace $0x90000047  }
0xca: {  	[bflag:$0x2] =	sbarrier.arrive $0xFFFF  }
0xcb: {  	p0 =	sne.s32 s0, $0x0;
	s0 =	rddreg [dreg:$0x2]  }
0xcc: {  	s0 =	sadd.s32 @!p0 $0x100000, s0  }
0xcd: {  	[sflag:s0] =	ssyncadd.tile.s32 @!p0 $0x1;
	_ =	shalt  }
.Lfunc_end2:
_tile_overlayer_lowered:
.L_overlay_start_2:
0xce: {  	(tag) =	ssettag $0x2  }
0xcf: {  	s0 =	rddreg [dreg:$0x0];
	s2 =	stileid.u32  }
0xd0: {  	s1 =	rddreg [dreg:$0x1];
	p0 =	sne.s32 s2, $0x0  }
0xd1: {  	s3 =	rddreg [dreg:$0x2];
	[bflag:$0x3] =	sbarrier.arrive $0xFFFF;
	s2 =	simm.s32 @!p0 $0x1C05  }
0xd2: {  	[timem:s3], [sflag:s2] =	dma.local @!p0 [hbm:s0], s1  }
0xd3: {  	s0 =	simm.s32 @!p0 $0x5  }
0xd4: {  	_ =	swait.ge @!p0 [sflag:s0], s1  }
0xd5: {  	s1 =	ssub.s32 @!p0 $0x0, s1;
	[sflag:s0] =	ssyncset.done @!p0 $0x0  }
0xd6: {  	[sflag:s0] =	ssyncadd.s32 @!p0 s1  }
0xd7: {  	[bflag:$0x3] =	sbarrier.arrive $0xFFFF  }
0xd8: {  	_ =	shalt  }

</sc_bundles>
